<compile_context>
chip_gen: v7x
topology: tpu7x:2x2x1
jax: 0.10.2.dev20260603
libtpu: 0.0.44.dev20260713+nightly
codegen_flags: <defaults>
</compile_context>

<pallas_src>
import jax
import jax.numpy as jnp
from jax import lax
from jax.experimental import pallas as pl
from jax.experimental.pallas import tpu as pltpu
from jax.experimental.pallas import tpu_sc as plsc

V = 10000
E = 320000
D = 128
G = 128
NC = 2
NS = 16
NW = NC * NS
K = 128
NB = E // K
NB_LO = NB // NW
NB_REM = NB % NW
V_PAD = 10240
RPT = V_PAD // NS

_f32 = jnp.float32
_mesh = plsc.VectorSubcoreMesh(core_axis_name="c", subcore_axis_name="s",
                               num_cores=NC, num_subcores=NS)


def _sc_deg_body(edge_hbm, ones_hbm, zrows_hbm, out_hbm, accd, didx, ones_v):
    c = lax.axis_index("c")
    s = lax.axis_index("s")
    wid = s * NC + c
    row0 = pl.multiple_of(s * RPT, 8)
    pltpu.sync_copy(zrows_hbm, accd.at[pl.ds(row0, RPT)])
    pltpu.sync_copy(ones_hbm, ones_v)
    plsc.subcore_barrier()
    nb = NB_LO + jnp.where(wid < NB_REM, 1, 0)

    def body(i, carry):
        off = pl.multiple_of((wid + NW * i) * K, 8)
        pltpu.sync_copy(edge_hbm.at[1, pl.ds(off, K)], didx)
        pltpu.sync_copy(ones_v, accd.at[didx], add=True)
        return carry

    lax.fori_loop(0, nb, body, 0)
    plsc.subcore_barrier()
    pltpu.sync_copy(accd.at[pl.ds(row0, RPT)],
                    out_hbm.at[c, pl.ds(row0, RPT)])


_sc_deg = pl.kernel(
    _sc_deg_body,
    out_type=jax.ShapeDtypeStruct((NC, V_PAD, D), _f32),
    mesh=_mesh,
    scratch_types=[
        pltpu.VMEM_SHARED((V_PAD, D), _f32),
        pltpu.VMEM((K,), jnp.int32),
        pltpu.VMEM((K, D), _f32),
    ],
)


def _sc_edge_body(y_hbm, edge_hbm, zrows_hbm, out_hbm, acc, sidx, didx, rows,
                  gsem):
    c = lax.axis_index("c")
    s = lax.axis_index("s")
    wid = s * NC + c
    pltpu.sync_copy(zrows_hbm, acc.at[pl.ds(s * RPT, RPT)])
    plsc.subcore_barrier()
    nb = NB_LO + jnp.where(wid < NB_REM, 1, 0)

    def body(i, carry):
        off = (wid + NW * i) * K
        pltpu.sync_copy(edge_hbm.at[0, pl.ds(off, K)], sidx)
        pltpu.sync_copy(edge_hbm.at[1, pl.ds(off, K)], didx)
        pltpu.async_copy(y_hbm.at[sidx], rows, gsem).wait()
        pltpu.sync_copy(rows, acc.at[didx], add=True)
        return carry

    lax.fori_loop(0, nb, body, 0)
    plsc.subcore_barrier()
    pltpu.sync_copy(acc.at[pl.ds(s * RPT, RPT)],
                    out_hbm.at[c, pl.ds(s * RPT, RPT)])


_sc_edge = pl.kernel(
    _sc_edge_body,
    out_type=jax.ShapeDtypeStruct((NC, V_PAD, D), _f32),
    mesh=_mesh,
    scratch_types=[
        pltpu.VMEM_SHARED((V_PAD, D), _f32),
        pltpu.VMEM((K,), jnp.int32),
        pltpu.VMEM((K,), jnp.int32),
        pltpu.VMEM((K, D), _f32),
        pltpu.SemaphoreType.DMA,
    ],
)


def _tc1_body(x_ref, w_ref, degp_ref, y_ref, dinv_ref):
    deg = degp_ref[0, :V, 0:1] + degp_ref[1, :V, 0:1] + 1.0
    dinv = lax.rsqrt(deg)
    dinv_ref[...] = dinv
    xw = jnp.dot(x_ref[...], w_ref[...], preferred_element_type=_f32)
    y_ref[...] = xw * dinv


def _tc1(x, w1, degp):
    return pl.pallas_call(
        _tc1_body,
        out_shape=[
            jax.ShapeDtypeStruct((V, D), _f32),
            jax.ShapeDtypeStruct((V, 1), _f32),
        ],
    )(x, w1, degp)


def _tc_mid_body(sp_ref, y_ref, dinv_ref, b_ref, w_ref, yout_ref):
    dinv = dinv_ref[...]
    pre = dinv * (sp_ref[0, :V, :] + sp_ref[1, :V, :] + y_ref[...]) + b_ref[...]
    h = jnp.maximum(pre, 0.0)
    yout_ref[...] = jnp.dot(h, w_ref[...], preferred_element_type=_f32) * dinv


def _tc_mid(sp, y, dinv, b, w_next):
    return pl.pallas_call(
        _tc_mid_body,
        out_shape=jax.ShapeDtypeStruct((V, D), _f32),
    )(sp, y, dinv, b, w_next)


def _tc_fin_body(sp_ref, y_ref, dinv_ref, b_ref, batch_ref, wout_ref,
                 bout_ref, out_ref):
    dinv = dinv_ref[...]
    pre = dinv * (sp_ref[0, :V, :] + sp_ref[1, :V, :] + y_ref[...]) + b_ref[...]
    h = jnp.maximum(pre, 0.0)
    gids = lax.broadcasted_iota(jnp.int32, (G, 1), 0)
    onehot_t = (batch_ref[...] == gids).astype(_f32)
    pooled = jnp.dot(onehot_t, h, preferred_element_type=_f32)
    out_ref[...] = (jnp.dot(pooled, wout_ref[...], preferred_element_type=_f32)
                    + bout_ref[...])


def _tc_fin(sp, y, dinv, b, batch2d, wout, bout):
    n_class = wout.shape[1]
    return pl.pallas_call(
        _tc_fin_body,
        out_shape=jax.ShapeDtypeStruct((G, n_class), _f32),
    )(sp, y, dinv, b, batch2d, wout, bout)


def kernel(x, edge_index, batch, W1, b1, W2, b2, W3, b3, Wout, bout):
    edge = edge_index.astype(jnp.int32)
    ones128 = jnp.ones((K, D), _f32)
    zrows = jnp.zeros((RPT, D), _f32)

    degp = _sc_deg(edge, ones128, zrows)
    y1, dinv = _tc1(x, W1, degp)
    sp1 = _sc_edge(y1, edge, zrows)
    y2 = _tc_mid(sp1, y1, dinv, b1.reshape(1, D), W2)
    sp2 = _sc_edge(y2, edge, zrows)
    y3 = _tc_mid(sp2, y2, dinv, b2.reshape(1, D), W3)
    sp3 = _sc_edge(y3, edge, zrows)
    out = _tc_fin(sp3, y3, dinv, b3.reshape(1, D), batch.reshape(1, V),
                  Wout, bout.reshape(1, -1))
    return out

# --- scband reference (transcript-rebuilt; emitter-appended) ---
"""Pipeline reference for scband-gcn-graph-56178172232068 (READ-ONLY COPY).

The authoritative reference and input builder live on the scoring server;
editing this copy changes nothing except your own understanding.
"""

import jax, jax.numpy as jnp
import numpy as np

N_NODES = 10000
N_EDGES = 320000
N_FEAT = 128
N_HIDDEN = 128
N_CLASS = 10
N_LAYER = 3
N_GRAPHS = 128


def setup_inputs(seed: int = 0) -> dict:
    key = jax.random.key(seed)
    ks = jax.random.split(key, 16)
    x = jax.random.normal(ks[0], (N_NODES, N_FEAT), dtype=jnp.float32)
    edge_index = jax.random.randint(ks[1], (2, N_EDGES), 0, N_NODES, dtype=jnp.int64 if jax.config.jax_enable_x64 else jnp.int32).astype(jnp.int32)
    batch = jnp.sort(jax.random.randint(ks[2], (N_NODES,), 0, N_GRAPHS).astype(jnp.int32))
    # GCNConv weights (glorot-ish scale)
    W1 = jax.random.normal(ks[3], (N_FEAT, N_HIDDEN), dtype=jnp.float32) * (1.0 / np.sqrt(N_FEAT))
    b1 = jnp.zeros((N_HIDDEN,), dtype=jnp.float32)
    W2 = jax.random.normal(ks[4], (N_HIDDEN, N_HIDDEN), dtype=jnp.float32) * (1.0 / np.sqrt(N_HIDDEN))
    b2 = jnp.zeros((N_HIDDEN,), dtype=jnp.float32)
    W3 = jax.random.normal(ks[5], (N_HIDDEN, N_HIDDEN), dtype=jnp.float32) * (1.0 / np.sqrt(N_HIDDEN))
    b3 = jnp.zeros((N_HIDDEN,), dtype=jnp.float32)
    Wout = jax.random.normal(ks[6], (N_HIDDEN, N_CLASS), dtype=jnp.float32) * (1.0 / np.sqrt(N_HIDDEN))
    bout = jnp.zeros((N_CLASS,), dtype=jnp.float32)
    return {"x": x, "edge_index": edge_index, "batch": batch,
            "W1": W1, "b1": b1, "W2": W2, "b2": b2, "W3": W3, "b3": b3,
            "Wout": Wout, "bout": bout}


def _gcn_conv(x, src, dst, norm, W, b, num_nodes):
    # x' = D^{-1/2} (A + I) D^{-1/2} X W + b  (PyG GCNConv semantics with self-loops)
    xw = x @ W
    msg = jnp.take(xw, src, axis=0) * norm[:, None]
    out = jnp.zeros((num_nodes, W.shape[1]), dtype=x.dtype).at[dst].add(msg)
    return out + b


def reference(x, edge_index, batch, W1, b1, W2, b2, W3, b3, Wout, bout):
    num_nodes = x.shape[0]
    loop = jnp.arange(num_nodes, dtype=edge_index.dtype)
    src = jnp.concatenate([edge_index[0], loop])
    dst = jnp.concatenate([edge_index[1], loop])
    deg = jnp.zeros((num_nodes,), dtype=x.dtype).at[dst].add(1.0)
    dinv = jnp.where(deg > 0, deg ** -0.5, 0.0)
    norm = dinv[src] * dinv[dst]

    h = x
    for (W, b) in ((W1, b1), (W2, b2), (W3, b3)):
        h = _gcn_conv(h, src, dst, norm, W, b, num_nodes)
        h = jax.nn.relu(h)
        # dropout is identity in eval mode
    # global_add_pool over graph assignments
    pooled = jax.ops.segment_sum(h, batch, num_segments=N_GRAPHS)
    out = pooled @ Wout + bout
    return out

if __name__ == "__main__":
    import jax
    _d = setup_inputs()
    print(jax.jit(kernel)(*tuple(_d.values())))

</pallas_src>

<mosaic_0001>
#map = affine_map<(d0, d1) -> (0, 0)>
#map1 = affine_map<(d0, d1) -> (0, 0, 0)>
module attributes {stable_mosaic.version = 14 : i64} {
  func.func @_sc_deg_body(%arg0: i32, %arg1: i32, %arg2: memref<2x320000xi32, #tpu.memory_space<hbm>>, %arg3: memref<128x128xf32, #tpu.memory_space<hbm>>, %arg4: memref<640x128xf32, #tpu.memory_space<hbm>>, %arg5: memref<2x10240x128xf32, #tpu.memory_space<hbm>>, %arg6: memref<10240x128xf32, #tpu.memory_space<vmem_shared>>, %arg7: memref<128xi32, #tpu.memory_space<vmem>>, %arg8: memref<128x128xf32, #tpu.memory_space<vmem>>) attributes {dimension_semantics = [#tpu.dimension_semantics<core_parallel>, #tpu.dimension_semantics<subcore_parallel>], iteration_bounds = array<i64: 2, 16>, scalar_prefetch = 0 : i64, scratch_operands = 3 : i64, tpu.core_type = #tpu.core_type<sc_vector_subcore>, window_params = [{transform_indices = #map}, {transform_indices = #map}, {transform_indices = #map}, {transform_indices = #map1}]} {
    %mul3A = arith.constant 2 : i32
    %mul3A_0 = arith.muli %arg1, %mul3A : i32
    %add3A = arith.addi %mul3A_0, %arg0 : i32
    %mul3A_1 = arith.constant 640 : i32
    %mul3A_2 = arith.muli %arg1, %mul3A_1 : i32
    %multiple_of3A = tpu.assume_multiple %mul3A_2, 8 : i32
    "tpu.region"() ({
      %run_scoped3A = tpu.sem_alloc : memref<!tpu.dma_semaphore, #tpu.memory_space<semaphore_mem>>
      %dma_start3A = arith.constant 0 : i32
      %dma_start3A_17 = tpu.memref_slice %arg6[%multiple_of3A, %dma_start3A] : memref<10240x128xf32, #tpu.memory_space<vmem_shared>> -> memref<640x128xf32, #tpu.memory_space<vmem_shared>>
      tpu.enqueue_dma source(%arg4 : memref<640x128xf32, #tpu.memory_space<hbm>>) target(%dma_start3A_17 : memref<640x128xf32, #tpu.memory_space<vmem_shared>>) target_semaphore(%run_scoped3A : memref<!tpu.dma_semaphore, #tpu.memory_space<semaphore_mem>>)
      %dma_wait3A = arith.constant 0 : i32
      %dma_wait3A_18 = tpu.memref_slice %arg6[%multiple_of3A, %dma_wait3A] : memref<10240x128xf32, #tpu.memory_space<vmem_shared>> -> memref<640x128xf32, #tpu.memory_space<vmem_shared>>
      tpu.wait_dma2 semaphore(%run_scoped3A : memref<!tpu.dma_semaphore, #tpu.memory_space<semaphore_mem>>) src(%arg4 : memref<640x128xf32, #tpu.memory_space<hbm>>) dst(%dma_wait3A_18 : memref<640x128xf32, #tpu.memory_space<vmem_shared>>)
      tpu.yield
    }) : () -> ()
    "tpu.region"() ({
      %run_scoped3A = tpu.sem_alloc : memref<!tpu.dma_semaphore, #tpu.memory_space<semaphore_mem>>
      tpu.enqueue_dma source(%arg3 : memref<128x128xf32, #tpu.memory_space<hbm>>) target(%arg8 : memref<128x128xf32, #tpu.memory_space<vmem>>) target_semaphore(%run_scoped3A : memref<!tpu.dma_semaphore, #tpu.memory_space<semaphore_mem>>)
      tpu.wait_dma2 semaphore(%run_scoped3A : memref<!tpu.dma_semaphore, #tpu.memory_space<semaphore_mem>>) src(%arg3 : memref<128x128xf32, #tpu.memory_space<hbm>>) dst(%arg8 : memref<128x128xf32, #tpu.memory_space<vmem>>)
      tpu.yield
    }) : () -> ()
    %barrier3A = arith.constant 0 : index
    tpu.barrier barrier_id(%barrier3A)
    %lt3A = arith.constant 4 : i32
    %lt3A_3 = arith.cmpi slt, %add3A, %lt3A : i32
    %jit3A = arith.constant 1 : i32
    %jit3A_4 = arith.constant 0 : i32
    %select_n3A = arith.select %lt3A_3, %jit3A, %jit3A_4 : i32
    %add3A_5 = arith.constant 78 : i32
    %add3A_6 = arith.addi %add3A_5, %select_n3A : i32
    %while3A = arith.constant 0 : i32
    %while3A_7 = arith.constant 0 : i32
    %while3A_8 = arith.subi %add3A_6, %while3A_7 : i32
    %while3A_9 = arith.addi %while3A_7, %while3A_8 : i32
    %while3A_10 = arith.constant 1 : i32
    %while3A_11 = arith.divsi %while3A_8, %while3A_10 : i32
    %while3A_12 = arith.muli %while3A_11, %while3A_10 : i32
    %while3A_13 = arith.addi %while3A_7, %while3A_12 : i32
    %while3A_14 = arith.constant 1 : i32
    scf.for %while3A_17 = %while3A_7 to %while3A_13 step %while3A_14  : i32 {
      %mul3A_18 = arith.constant 32 : i32
      %mul3A_19 = arith.muli %mul3A_18, %while3A_17 : i32
      %add3A_20 = arith.addi %add3A, %mul3A_19 : i32
      %mul3A_21 = arith.constant 128 : i32
      %mul3A_22 = arith.muli %add3A_20, %mul3A_21 : i32
      %multiple_of3A_23 = tpu.assume_multiple %mul3A_22, 8 : i32
      %run_scoped3A = arith.constant 1 : i32
      "tpu.region"() ({
        %run_scoped3A_24 = tpu.sem_alloc : memref<!tpu.dma_semaphore, #tpu.memory_space<semaphore_mem>>
        %dma_start3A = tpu.memref_slice %arg2[%run_scoped3A, %multiple_of3A_23] : memref<2x320000xi32, #tpu.memory_space<hbm>> -> memref<1x128xi32, #tpu.memory_space<hbm>>
        %dma_start3A_25 = tpu.memref_squeeze %dma_start3A : memref<1x128xi32, #tpu.memory_space<hbm>> -> memref<128xi32, #tpu.memory_space<hbm>>
        %dma_start3A_26 = tpu.memref_slice %arg2[%run_scoped3A, %multiple_of3A_23] : memref<2x320000xi32, #tpu.memory_space<hbm>> -> memref<1x128xi32, #tpu.memory_space<hbm>>
        %dma_start3A_27 = tpu.memref_squeeze %dma_start3A_26 : memref<1x128xi32, #tpu.memory_space<hbm>> -> memref<128xi32, #tpu.memory_space<hbm>>
        tpu.enqueue_dma source(%dma_start3A_27 : memref<128xi32, #tpu.memory_space<hbm>>) target(%arg7 : memref<128xi32, #tpu.memory_space<vmem>>) target_semaphore(%run_scoped3A_24 : memref<!tpu.dma_semaphore, #tpu.memory_space<semaphore_mem>>)
        %dma_wait3A = tpu.memref_slice %arg2[%run_scoped3A, %multiple_of3A_23] : memref<2x320000xi32, #tpu.memory_space<hbm>> -> memref<1x128xi32, #tpu.memory_space<hbm>>
        %dma_wait3A_28 = tpu.memref_squeeze %dma_wait3A : memref<1x128xi32, #tpu.memory_space<hbm>> -> memref<128xi32, #tpu.memory_space<hbm>>
        %dma_wait3A_29 = tpu.memref_slice %arg2[%run_scoped3A, %multiple_of3A_23] : memref<2x320000xi32, #tpu.memory_space<hbm>> -> memref<1x128xi32, #tpu.memory_space<hbm>>
        %dma_wait3A_30 = tpu.memref_squeeze %dma_wait3A_29 : memref<1x128xi32, #tpu.memory_space<hbm>> -> memref<128xi32, #tpu.memory_space<hbm>>
        tpu.wait_dma2 semaphore(%run_scoped3A_24 : memref<!tpu.dma_semaphore, #tpu.memory_space<semaphore_mem>>) src(%dma_wait3A_30 : memref<128xi32, #tpu.memory_space<hbm>>) dst(%arg7 : memref<128xi32, #tpu.memory_space<vmem>>)
        tpu.yield
      }) : () -> ()
      "tpu.region"() ({
        %run_scoped3A_24 = tpu.sem_alloc : memref<!tpu.dma_semaphore, #tpu.memory_space<semaphore_mem>>
        %dma_start3A = arith.constant 0 : i32
        %dma_start3A_25 = arith.constant 0 : i32
        %dma_start3A_26 = tpu.memref_slice %arg6[%dma_start3A, %dma_start3A_25] : memref<10240x128xf32, #tpu.memory_space<vmem_shared>> -> memref<10240x128xf32, #tpu.memory_space<vmem_shared>>
        tpu.enqueue_indirect_dma source(%arg8 : memref<128x128xf32, #tpu.memory_space<vmem>>) target(%dma_start3A_26 : memref<10240x128xf32, #tpu.memory_space<vmem_shared>>) offsets(%arg7 : memref<128xi32, #tpu.memory_space<vmem>>) semaphore(%run_scoped3A_24 : memref<!tpu.dma_semaphore, #tpu.memory_space<semaphore_mem>>) {add = true}
        %dma_wait3A = arith.constant 0 : i32
        %dma_wait3A_27 = arith.constant 0 : i32
        %dma_wait3A_28 = tpu.memref_slice %arg6[%dma_wait3A, %dma_wait3A_27] : memref<10240x128xf32, #tpu.memory_space<vmem_shared>> -> memref<10240x128xf32, #tpu.memory_space<vmem_shared>>
        tpu.wait_indirect_dma semaphore(%run_scoped3A_24 : memref<!tpu.dma_semaphore, #tpu.memory_space<semaphore_mem>>) src(%arg8 : memref<128x128xf32, #tpu.memory_space<vmem>>) dst(%dma_wait3A_28 : memref<10240x128xf32, #tpu.memory_space<vmem_shared>>)
        tpu.yield
      }) : () -> ()
    }
    %while3A_15 = arith.constant 1 : i32
    scf.for %while3A_17 = %while3A_13 to %while3A_9 step %while3A_15  : i32 {
      %mul3A_18 = arith.constant 32 : i32
      %mul3A_19 = arith.muli %mul3A_18, %while3A_17 : i32
      %add3A_20 = arith.addi %add3A, %mul3A_19 : i32
      %mul3A_21 = arith.constant 128 : i32
      %mul3A_22 = arith.muli %add3A_20, %mul3A_21 : i32
      %multiple_of3A_23 = tpu.assume_multiple %mul3A_22, 8 : i32
      %run_scoped3A = arith.constant 1 : i32
      "tpu.region"() ({
        %run_scoped3A_24 = tpu.sem_alloc : memref<!tpu.dma_semaphore, #tpu.memory_space<semaphore_mem>>
        %dma_start3A = tpu.memref_slice %arg2[%run_scoped3A, %multiple_of3A_23] : memref<2x320000xi32, #tpu.memory_space<hbm>> -> memref<1x128xi32, #tpu.memory_space<hbm>>
        %dma_start3A_25 = tpu.memref_squeeze %dma_start3A : memref<1x128xi32, #tpu.memory_space<hbm>> -> memref<128xi32, #tpu.memory_space<hbm>>
        %dma_start3A_26 = tpu.memref_slice %arg2[%run_scoped3A, %multiple_of3A_23] : memref<2x320000xi32, #tpu.memory_space<hbm>> -> memref<1x128xi32, #tpu.memory_space<hbm>>
        %dma_start3A_27 = tpu.memref_squeeze %dma_start3A_26 : memref<1x128xi32, #tpu.memory_space<hbm>> -> memref<128xi32, #tpu.memory_space<hbm>>
        tpu.enqueue_dma source(%dma_start3A_27 : memref<128xi32, #tpu.memory_space<hbm>>) target(%arg7 : memref<128xi32, #tpu.memory_space<vmem>>) target_semaphore(%run_scoped3A_24 : memref<!tpu.dma_semaphore, #tpu.memory_space<semaphore_mem>>)
        %dma_wait3A = tpu.memref_slice %arg2[%run_scoped3A, %multiple_of3A_23] : memref<2x320000xi32, #tpu.memory_space<hbm>> -> memref<1x128xi32, #tpu.memory_space<hbm>>
        %dma_wait3A_28 = tpu.memref_squeeze %dma_wait3A : memref<1x128xi32, #tpu.memory_space<hbm>> -> memref<128xi32, #tpu.memory_space<hbm>>
        %dma_wait3A_29 = tpu.memref_slice %arg2[%run_scoped3A, %multiple_of3A_23] : memref<2x320000xi32, #tpu.memory_space<hbm>> -> memref<1x128xi32, #tpu.memory_space<hbm>>
        %dma_wait3A_30 = tpu.memref_squeeze %dma_wait3A_29 : memref<1x128xi32, #tpu.memory_space<hbm>> -> memref<128xi32, #tpu.memory_space<hbm>>
        tpu.wait_dma2 semaphore(%run_scoped3A_24 : memref<!tpu.dma_semaphore, #tpu.memory_space<semaphore_mem>>) src(%dma_wait3A_30 : memref<128xi32, #tpu.memory_space<hbm>>) dst(%arg7 : memref<128xi32, #tpu.memory_space<vmem>>)
        tpu.yield
      }) : () -> ()
      "tpu.region"() ({
        %run_scoped3A_24 = tpu.sem_alloc : memref<!tpu.dma_semaphore, #tpu.memory_space<semaphore_mem>>
        %dma_start3A = arith.constant 0 : i32
        %dma_start3A_25 = arith.constant 0 : i32
        %dma_start3A_26 = tpu.memref_slice %arg6[%dma_start3A, %dma_start3A_25] : memref<10240x128xf32, #tpu.memory_space<vmem_shared>> -> memref<10240x128xf32, #tpu.memory_space<vmem_shared>>
        tpu.enqueue_indirect_dma source(%arg8 : memref<128x128xf32, #tpu.memory_space<vmem>>) target(%dma_start3A_26 : memref<10240x128xf32, #tpu.memory_space<vmem_shared>>) offsets(%arg7 : memref<128xi32, #tpu.memory_space<vmem>>) semaphore(%run_scoped3A_24 : memref<!tpu.dma_semaphore, #tpu.memory_space<semaphore_mem>>) {add = true}
        %dma_wait3A = arith.constant 0 : i32
        %dma_wait3A_27 = arith.constant 0 : i32
        %dma_wait3A_28 = tpu.memref_slice %arg6[%dma_wait3A, %dma_wait3A_27] : memref<10240x128xf32, #tpu.memory_space<vmem_shared>> -> memref<10240x128xf32, #tpu.memory_space<vmem_shared>>
        tpu.wait_indirect_dma semaphore(%run_scoped3A_24 : memref<!tpu.dma_semaphore, #tpu.memory_space<semaphore_mem>>) src(%arg8 : memref<128x128xf32, #tpu.memory_space<vmem>>) dst(%dma_wait3A_28 : memref<10240x128xf32, #tpu.memory_space<vmem_shared>>)
        tpu.yield
      }) : () -> ()
    }
    %barrier3A_16 = arith.constant 0 : index
    tpu.barrier barrier_id(%barrier3A_16)
    "tpu.region"() ({
      %run_scoped3A = tpu.sem_alloc : memref<!tpu.dma_semaphore, #tpu.memory_space<semaphore_mem>>
      %dma_start3A = arith.constant 0 : i32
      %dma_start3A_17 = tpu.memref_slice %arg5[%arg0, %multiple_of3A, %dma_start3A] : memref<2x10240x128xf32, #tpu.memory_space<hbm>> -> memref<1x640x128xf32, #tpu.memory_space<hbm>>
      %dma_start3A_18 = tpu.memref_squeeze %dma_start3A_17 : memref<1x640x128xf32, #tpu.memory_space<hbm>> -> memref<640x128xf32, #tpu.memory_space<hbm>>
      %dma_start3A_19 = arith.constant 0 : i32
      %dma_start3A_20 = tpu.memref_slice %arg6[%multiple_of3A, %dma_start3A_19] : memref<10240x128xf32, #tpu.memory_space<vmem_shared>> -> memref<640x128xf32, #tpu.memory_space<vmem_shared>>
      tpu.enqueue_dma source(%dma_start3A_20 : memref<640x128xf32, #tpu.memory_space<vmem_shared>>) target(%dma_start3A_18 : memref<640x128xf32, #tpu.memory_space<hbm>>) target_semaphore(%run_scoped3A : memref<!tpu.dma_semaphore, #tpu.memory_space<semaphore_mem>>)
      %dma_wait3A = arith.constant 0 : i32
      %dma_wait3A_21 = tpu.memref_slice %arg5[%arg0, %multiple_of3A, %dma_wait3A] : memref<2x10240x128xf32, #tpu.memory_space<hbm>> -> memref<1x640x128xf32, #tpu.memory_space<hbm>>
      %dma_wait3A_22 = tpu.memref_squeeze %dma_wait3A_21 : memref<1x640x128xf32, #tpu.memory_space<hbm>> -> memref<640x128xf32, #tpu.memory_space<hbm>>
      %dma_wait3A_23 = arith.constant 0 : i32
      %dma_wait3A_24 = tpu.memref_slice %arg6[%multiple_of3A, %dma_wait3A_23] : memref<10240x128xf32, #tpu.memory_space<vmem_shared>> -> memref<640x128xf32, #tpu.memory_space<vmem_shared>>
      tpu.wait_dma2 semaphore(%run_scoped3A : memref<!tpu.dma_semaphore, #tpu.memory_space<semaphore_mem>>) src(%dma_wait3A_24 : memref<640x128xf32, #tpu.memory_space<vmem_shared>>) dst(%dma_wait3A_22 : memref<640x128xf32, #tpu.memory_space<hbm>>)
      tpu.yield
    }) : () -> ()
    return
  }
}

#map = affine_map<(d0, d1) -> (0, 0)>
#map1 = affine_map<(d0, d1) -> (0, 0, 0)>
module attributes {stable_mosaic.version = 14 : i64} {
  func.func @_sc_edge_body(%arg0: i32, %arg1: i32, %arg2: memref<10000x128xf32, #tpu.memory_space<hbm>>, %arg3: memref<2x320000xi32, #tpu.memory_space<hbm>>, %arg4: memref<640x128xf32, #tpu.memory_space<hbm>>, %arg5: memref<2x10240x128xf32, #tpu.memory_space<hbm>>, %arg6: memref<10240x128xf32, #tpu.memory_space<vmem_shared>>, %arg7: memref<128xi32, #tpu.memory_space<vmem>>, %arg8: memref<128xi32, #tpu.memory_space<vmem>>, %arg9: memref<128x128xf32, #tpu.memory_space<vmem>>, %arg10: memref<!tpu.dma_semaphore, #tpu.memory_space<semaphore_mem>>) attributes {dimension_semantics = [#tpu.dimension_semantics<core_parallel>, #tpu.dimension_semantics<subcore_parallel>], iteration_bounds = array<i64: 2, 16>, scalar_prefetch = 0 : i64, scratch_operands = 5 : i64, tpu.core_type = #tpu.core_type<sc_vector_subcore>, window_params = [{transform_indices = #map}, {transform_indices = #map}, {transform_indices = #map}, {transform_indices = #map1}]} {
    %mul3A = arith.constant 2 : i32
    %mul3A_0 = arith.muli %arg1, %mul3A : i32
    %add3A = arith.addi %mul3A_0, %arg0 : i32
    %mul3A_1 = arith.constant 640 : i32
    %mul3A_2 = arith.muli %arg1, %mul3A_1 : i32
    "tpu.region"() ({
      %run_scoped3A = tpu.sem_alloc : memref<!tpu.dma_semaphore, #tpu.memory_space<semaphore_mem>>
      %dma_start3A = arith.constant 0 : i32
      %dma_start3A_21 = tpu.memref_slice %arg6[%mul3A_2, %dma_start3A] : memref<10240x128xf32, #tpu.memory_space<vmem_shared>> -> memref<640x128xf32, #tpu.memory_space<vmem_shared>>
      tpu.enqueue_dma source(%arg4 : memref<640x128xf32, #tpu.memory_space<hbm>>) target(%dma_start3A_21 : memref<640x128xf32, #tpu.memory_space<vmem_shared>>) target_semaphore(%run_scoped3A : memref<!tpu.dma_semaphore, #tpu.memory_space<semaphore_mem>>)
      %dma_wait3A = arith.constant 0 : i32
      %dma_wait3A_22 = tpu.memref_slice %arg6[%mul3A_2, %dma_wait3A] : memref<10240x128xf32, #tpu.memory_space<vmem_shared>> -> memref<640x128xf32, #tpu.memory_space<vmem_shared>>
      tpu.wait_dma2 semaphore(%run_scoped3A : memref<!tpu.dma_semaphore, #tpu.memory_space<semaphore_mem>>) src(%arg4 : memref<640x128xf32, #tpu.memory_space<hbm>>) dst(%dma_wait3A_22 : memref<640x128xf32, #tpu.memory_space<vmem_shared>>)
      tpu.yield
    }) : () -> ()
    %barrier3A = arith.constant 0 : index
    tpu.barrier barrier_id(%barrier3A)
    %lt3A = arith.constant 4 : i32
    %lt3A_3 = arith.cmpi slt, %add3A, %lt3A : i32
    %jit3A = arith.constant 1 : i32
    %jit3A_4 = arith.constant 0 : i32
    %select_n3A = arith.select %lt3A_3, %jit3A, %jit3A_4 : i32
    %add3A_5 = arith.constant 78 : i32
    %add3A_6 = arith.addi %add3A_5, %select_n3A : i32
    %while3A = arith.constant 0 : i32
    %while3A_7 = arith.constant 0 : i32
    %while3A_8 = arith.subi %add3A_6, %while3A_7 : i32
    %while3A_9 = arith.addi %while3A_7, %while3A_8 : i32
    %while3A_10 = arith.constant 1 : i32
    %while3A_11 = arith.divsi %while3A_8, %while3A_10 : i32
    %while3A_12 = arith.muli %while3A_11, %while3A_10 : i32
    %while3A_13 = arith.addi %while3A_7, %while3A_12 : i32
    %while3A_14 = arith.constant 1 : i32
    scf.for %while3A_21 = %while3A_7 to %while3A_13 step %while3A_14  : i32 {
      %mul3A_22 = arith.constant 32 : i32
      %mul3A_23 = arith.muli %mul3A_22, %while3A_21 : i32
      %add3A_24 = arith.addi %add3A, %mul3A_23 : i32
      %mul3A_25 = arith.constant 128 : i32
      %mul3A_26 = arith.muli %add3A_24, %mul3A_25 : i32
      %run_scoped3A = arith.constant 0 : i32
      "tpu.region"() ({
        %run_scoped3A_32 = tpu.sem_alloc : memref<!tpu.dma_semaphore, #tpu.memory_space<semaphore_mem>>
        %dma_start3A_33 = tpu.memref_slice %arg3[%run_scoped3A, %mul3A_26] : memref<2x320000xi32, #tpu.memory_space<hbm>> -> memref<1x128xi32, #tpu.memory_space<hbm>>
        %dma_start3A_34 = tpu.memref_squeeze %dma_start3A_33 : memref<1x128xi32, #tpu.memory_space<hbm>> -> memref<128xi32, #tpu.memory_space<hbm>>
        %dma_start3A_35 = tpu.memref_slice %arg3[%run_scoped3A, %mul3A_26] : memref<2x320000xi32, #tpu.memory_space<hbm>> -> memref<1x128xi32, #tpu.memory_space<hbm>>
        %dma_start3A_36 = tpu.memref_squeeze %dma_start3A_35 : memref<1x128xi32, #tpu.memory_space<hbm>> -> memref<128xi32, #tpu.memory_space<hbm>>
        tpu.enqueue_dma source(%dma_start3A_36 : memref<128xi32, #tpu.memory_space<hbm>>) target(%arg7 : memref<128xi32, #tpu.memory_space<vmem>>) target_semaphore(%run_scoped3A_32 : memref<!tpu.dma_semaphore, #tpu.memory_space<semaphore_mem>>)
        %dma_wait3A_37 = tpu.memref_slice %arg3[%run_scoped3A, %mul3A_26] : memref<2x320000xi32, #tpu.memory_space<hbm>> -> memref<1x128xi32, #tpu.memory_space<hbm>>
        %dma_wait3A_38 = tpu.memref_squeeze %dma_wait3A_37 : memref<1x128xi32, #tpu.memory_space<hbm>> -> memref<128xi32, #tpu.memory_space<hbm>>
        %dma_wait3A_39 = tpu.memref_slice %arg3[%run_scoped3A, %mul3A_26] : memref<2x320000xi32, #tpu.memory_space<hbm>> -> memref<1x128xi32, #tpu.memory_space<hbm>>
        %dma_wait3A_40 = tpu.memref_squeeze %dma_wait3A_39 : memref<1x128xi32, #tpu.memory_space<hbm>> -> memref<128xi32, #tpu.memory_space<hbm>>
        tpu.wait_dma2 semaphore(%run_scoped3A_32 : memref<!tpu.dma_semaphore, #tpu.memory_space<semaphore_mem>>) src(%dma_wait3A_40 : memref<128xi32, #tpu.memory_space<hbm>>) dst(%arg7 : memref<128xi32, #tpu.memory_space<vmem>>)
        tpu.yield
      }) : () -> ()
      %run_scoped3A_27 = arith.constant 1 : i32
      "tpu.region"() ({
        %run_scoped3A_32 = tpu.sem_alloc : memref<!tpu.dma_semaphore, #tpu.memory_space<semaphore_mem>>
        %dma_start3A_33 = tpu.memref_slice %arg3[%run_scoped3A_27, %mul3A_26] : memref<2x320000xi32, #tpu.memory_space<hbm>> -> memref<1x128xi32, #tpu.memory_space<hbm>>
        %dma_start3A_34 = tpu.memref_squeeze %dma_start3A_33 : memref<1x128xi32, #tpu.memory_space<hbm>> -> memref<128xi32, #tpu.memory_space<hbm>>
        %dma_start3A_35 = tpu.memref_slice %arg3[%run_scoped3A_27, %mul3A_26] : memref<2x320000xi32, #tpu.memory_space<hbm>> -> memref<1x128xi32, #tpu.memory_space<hbm>>
        %dma_start3A_36 = tpu.memref_squeeze %dma_start3A_35 : memref<1x128xi32, #tpu.memory_space<hbm>> -> memref<128xi32, #tpu.memory_space<hbm>>
        tpu.enqueue_dma source(%dma_start3A_36 : memref<128xi32, #tpu.memory_space<hbm>>) target(%arg8 : memref<128xi32, #tpu.memory_space<vmem>>) target_semaphore(%run_scoped3A_32 : memref<!tpu.dma_semaphore, #tpu.memory_space<semaphore_mem>>)
        %dma_wait3A_37 = tpu.memref_slice %arg3[%run_scoped3A_27, %mul3A_26] : memref<2x320000xi32, #tpu.memory_space<hbm>> -> memref<1x128xi32, #tpu.memory_space<hbm>>
        %dma_wait3A_38 = tpu.memref_squeeze %dma_wait3A_37 : memref<1x128xi32, #tpu.memory_space<hbm>> -> memref<128xi32, #tpu.memory_space<hbm>>
        %dma_wait3A_39 = tpu.memref_slice %arg3[%run_scoped3A_27, %mul3A_26] : memref<2x320000xi32, #tpu.memory_space<hbm>> -> memref<1x128xi32, #tpu.memory_space<hbm>>
        %dma_wait3A_40 = tpu.memref_squeeze %dma_wait3A_39 : memref<1x128xi32, #tpu.memory_space<hbm>> -> memref<128xi32, #tpu.memory_space<hbm>>
        tpu.wait_dma2 semaphore(%run_scoped3A_32 : memref<!tpu.dma_semaphore, #tpu.memory_space<semaphore_mem>>) src(%dma_wait3A_40 : memref<128xi32, #tpu.memory_space<hbm>>) dst(%arg8 : memref<128xi32, #tpu.memory_space<vmem>>)
        tpu.yield
      }) : () -> ()
      %dma_start3A = arith.constant 0 : i32
      %dma_start3A_28 = arith.constant 0 : i32
      %dma_start3A_29 = tpu.memref_slice %arg2[%dma_start3A, %dma_start3A_28] : memref<10000x128xf32, #tpu.memory_space<hbm>> -> memref<10000x128xf32, #tpu.memory_space<hbm>>
      tpu.enqueue_indirect_dma source(%dma_start3A_29 : memref<10000x128xf32, #tpu.memory_space<hbm>>) target(%arg9 : memref<128x128xf32, #tpu.memory_space<vmem>>) offsets(%arg7 : memref<128xi32, #tpu.memory_space<vmem>>) semaphore(%arg10 : memref<!tpu.dma_semaphore, #tpu.memory_space<semaphore_mem>>)
      %dma_wait3A = arith.constant 0 : i32
      %dma_wait3A_30 = arith.constant 0 : i32
      %dma_wait3A_31 = tpu.memref_slice %arg2[%dma_wait3A, %dma_wait3A_30] : memref<10000x128xf32, #tpu.memory_space<hbm>> -> memref<10000x128xf32, #tpu.memory_space<hbm>>
      tpu.wait_indirect_dma semaphore(%arg10 : memref<!tpu.dma_semaphore, #tpu.memory_space<semaphore_mem>>) src(%dma_wait3A_31 : memref<10000x128xf32, #tpu.memory_space<hbm>>) dst(%arg9 : memref<128x128xf32, #tpu.memory_space<vmem>>)
      "tpu.region"() ({
        %run_scoped3A_32 = tpu.sem_alloc : memref<!tpu.dma_semaphore, #tpu.memory_space<semaphore_mem>>
        %dma_start3A_33 = arith.constant 0 : i32
        %dma_start3A_34 = arith.constant 0 : i32
        %dma_start3A_35 = tpu.memref_slice %arg6[%dma_start3A_33, %dma_start3A_34] : memref<10240x128xf32, #tpu.memory_space<vmem_shared>> -> memref<10240x128xf32, #tpu.memory_space<vmem_shared>>
        tpu.enqueue_indirect_dma source(%arg9 : memref<128x128xf32, #tpu.memory_space<vmem>>) target(%dma_start3A_35 : memref<10240x128xf32, #tpu.memory_space<vmem_shared>>) offsets(%arg8 : memref<128xi32, #tpu.memory_space<vmem>>) semaphore(%run_scoped3A_32 : memref<!tpu.dma_semaphore, #tpu.memory_space<semaphore_mem>>) {add = true}
        %dma_wait3A_36 = arith.constant 0 : i32
        %dma_wait3A_37 = arith.constant 0 : i32
        %dma_wait3A_38 = tpu.memref_slice %arg6[%dma_wait3A_36, %dma_wait3A_37] : memref<10240x128xf32, #tpu.memory_space<vmem_shared>> -> memref<10240x128xf32, #tpu.memory_space<vmem_shared>>
        tpu.wait_indirect_dma semaphore(%run_scoped3A_32 : memref<!tpu.dma_semaphore, #tpu.memory_space<semaphore_mem>>) src(%arg9 : memref<128x128xf32, #tpu.memory_space<vmem>>) dst(%dma_wait3A_38 : memref<10240x128xf32, #tpu.memory_space<vmem_shared>>)
        tpu.yield
      }) : () -> ()
    }
    %while3A_15 = arith.constant 1 : i32
    scf.for %while3A_21 = %while3A_13 to %while3A_9 step %while3A_15  : i32 {
      %mul3A_22 = arith.constant 32 : i32
      %mul3A_23 = arith.muli %mul3A_22, %while3A_21 : i32
      %add3A_24 = arith.addi %add3A, %mul3A_23 : i32
      %mul3A_25 = arith.constant 128 : i32
      %mul3A_26 = arith.muli %add3A_24, %mul3A_25 : i32
      %run_scoped3A = arith.constant 0 : i32
      "tpu.region"() ({
        %run_scoped3A_32 = tpu.sem_alloc : memref<!tpu.dma_semaphore, #tpu.memory_space<semaphore_mem>>
        %dma_start3A_33 = tpu.memref_slice %arg3[%run_scoped3A, %mul3A_26] : memref<2x320000xi32, #tpu.memory_space<hbm>> -> memref<1x128xi32, #tpu.memory_space<hbm>>
        %dma_start3A_34 = tpu.memref_squeeze %dma_start3A_33 : memref<1x128xi32, #tpu.memory_space<hbm>> -> memref<128xi32, #tpu.memory_space<hbm>>
        %dma_start3A_35 = tpu.memref_slice %arg3[%run_scoped3A, %mul3A_26] : memref<2x320000xi32, #tpu.memory_space<hbm>> -> memref<1x128xi32, #tpu.memory_space<hbm>>
        %dma_start3A_36 = tpu.memref_squeeze %dma_start3A_35 : memref<1x128xi32, #tpu.memory_space<hbm>> -> memref<128xi32, #tpu.memory_space<hbm>>
        tpu.enqueue_dma source(%dma_start3A_36 : memref<128xi32, #tpu.memory_space<hbm>>) target(%arg7 : memref<128xi32, #tpu.memory_space<vmem>>) target_semaphore(%run_scoped3A_32 : memref<!tpu.dma_semaphore, #tpu.memory_space<semaphore_mem>>)
        %dma_wait3A_37 = tpu.memref_slice %arg3[%run_scoped3A, %mul3A_26] : memref<2x320000xi32, #tpu.memory_space<hbm>> -> memref<1x128xi32, #tpu.memory_space<hbm>>
        %dma_wait3A_38 = tpu.memref_squeeze %dma_wait3A_37 : memref<1x128xi32, #tpu.memory_space<hbm>> -> memref<128xi32, #tpu.memory_space<hbm>>
        %dma_wait3A_39 = tpu.memref_slice %arg3[%run_scoped3A, %mul3A_26] : memref<2x320000xi32, #tpu.memory_space<hbm>> -> memref<1x128xi32, #tpu.memory_space<hbm>>
        %dma_wait3A_40 = tpu.memref_squeeze %dma_wait3A_39 : memref<1x128xi32, #tpu.memory_space<hbm>> -> memref<128xi32, #tpu.memory_space<hbm>>
        tpu.wait_dma2 semaphore(%run_scoped3A_32 : memref<!tpu.dma_semaphore, #tpu.memory_space<semaphore_mem>>) src(%dma_wait3A_40 : memref<128xi32, #tpu.memory_space<hbm>>) dst(%arg7 : memref<128xi32, #tpu.memory_space<vmem>>)
        tpu.yield
      }) : () -> ()
      %run_scoped3A_27 = arith.constant 1 : i32
      "tpu.region"() ({
        %run_scoped3A_32 = tpu.sem_alloc : memref<!tpu.dma_semaphore, #tpu.memory_space<semaphore_mem>>
        %dma_start3A_33 = tpu.memref_slice %arg3[%run_scoped3A_27, %mul3A_26] : memref<2x320000xi32, #tpu.memory_space<hbm>> -> memref<1x128xi32, #tpu.memory_space<hbm>>
        %dma_start3A_34 = tpu.memref_squeeze %dma_start3A_33 : memref<1x128xi32, #tpu.memory_space<hbm>> -> memref<128xi32, #tpu.memory_space<hbm>>
        %dma_start3A_35 = tpu.memref_slice %arg3[%run_scoped3A_27, %mul3A_26] : memref<2x320000xi32, #tpu.memory_space<hbm>> -> memref<1x128xi32, #tpu.memory_space<hbm>>
        %dma_start3A_36 = tpu.memref_squeeze %dma_start3A_35 : memref<1x128xi32, #tpu.memory_space<hbm>> -> memref<128xi32, #tpu.memory_space<hbm>>
        tpu.enqueue_dma source(%dma_start3A_36 : memref<128xi32, #tpu.memory_space<hbm>>) target(%arg8 : memref<128xi32, #tpu.memory_space<vmem>>) target_semaphore(%run_scoped3A_32 : memref<!tpu.dma_semaphore, #tpu.memory_space<semaphore_mem>>)
        %dma_wait3A_37 = tpu.memref_slice %arg3[%run_scoped3A_27, %mul3A_26] : memref<2x320000xi32, #tpu.memory_space<hbm>> -> memref<1x128xi32, #tpu.memory_space<hbm>>
        %dma_wait3A_38 = tpu.memref_squeeze %dma_wait3A_37 : memref<1x128xi32, #tpu.memory_space<hbm>> -> memref<128xi32, #tpu.memory_space<hbm>>
        %dma_wait3A_39 = tpu.memref_slice %arg3[%run_scoped3A_27, %mul3A_26] : memref<2x320000xi32, #tpu.memory_space<hbm>> -> memref<1x128xi32, #tpu.memory_space<hbm>>
        %dma_wait3A_40 = tpu.memref_squeeze %dma_wait3A_39 : memref<1x128xi32, #tpu.memory_space<hbm>> -> memref<128xi32, #tpu.memory_space<hbm>>
        tpu.wait_dma2 semaphore(%run_scoped3A_32 : memref<!tpu.dma_semaphore, #tpu.memory_space<semaphore_mem>>) src(%dma_wait3A_40 : memref<128xi32, #tpu.memory_space<hbm>>) dst(%arg8 : memref<128xi32, #tpu.memory_space<vmem>>)
        tpu.yield
      }) : () -> ()
      %dma_start3A = arith.constant 0 : i32
      %dma_start3A_28 = arith.constant 0 : i32
      %dma_start3A_29 = tpu.memref_slice %arg2[%dma_start3A, %dma_start3A_28] : memref<10000x128xf32, #tpu.memory_space<hbm>> -> memref<10000x128xf32, #tpu.memory_space<hbm>>
      tpu.enqueue_indirect_dma source(%dma_start3A_29 : memref<10000x128xf32, #tpu.memory_space<hbm>>) target(%arg9 : memref<128x128xf32, #tpu.memory_space<vmem>>) offsets(%arg7 : memref<128xi32, #tpu.memory_space<vmem>>) semaphore(%arg10 : memref<!tpu.dma_semaphore, #tpu.memory_space<semaphore_mem>>)
      %dma_wait3A = arith.constant 0 : i32
      %dma_wait3A_30 = arith.constant 0 : i32
      %dma_wait3A_31 = tpu.memref_slice %arg2[%dma_wait3A, %dma_wait3A_30] : memref<10000x128xf32, #tpu.memory_space<hbm>> -> memref<10000x128xf32, #tpu.memory_space<hbm>>
      tpu.wait_indirect_dma semaphore(%arg10 : memref<!tpu.dma_semaphore, #tpu.memory_space<semaphore_mem>>) src(%dma_wait3A_31 : memref<10000x128xf32, #tpu.memory_space<hbm>>) dst(%arg9 : memref<128x128xf32, #tpu.memory_space<vmem>>)
      "tpu.region"() ({
        %run_scoped3A_32 = tpu.sem_alloc : memref<!tpu.dma_semaphore, #tpu.memory_space<semaphore_mem>>
        %dma_start3A_33 = arith.constant 0 : i32
        %dma_start3A_34 = arith.constant 0 : i32
        %dma_start3A_35 = tpu.memref_slice %arg6[%dma_start3A_33, %dma_start3A_34] : memref<10240x128xf32, #tpu.memory_space<vmem_shared>> -> memref<10240x128xf32, #tpu.memory_space<vmem_shared>>
        tpu.enqueue_indirect_dma source(%arg9 : memref<128x128xf32, #tpu.memory_space<vmem>>) target(%dma_start3A_35 : memref<10240x128xf32, #tpu.memory_space<vmem_shared>>) offsets(%arg8 : memref<128xi32, #tpu.memory_space<vmem>>) semaphore(%run_scoped3A_32 : memref<!tpu.dma_semaphore, #tpu.memory_space<semaphore_mem>>) {add = true}
        %dma_wait3A_36 = arith.constant 0 : i32
        %dma_wait3A_37 = arith.constant 0 : i32
        %dma_wait3A_38 = tpu.memref_slice %arg6[%dma_wait3A_36, %dma_wait3A_37] : memref<10240x128xf32, #tpu.memory_space<vmem_shared>> -> memref<10240x128xf32, #tpu.memory_space<vmem_shared>>
        tpu.wait_indirect_dma semaphore(%run_scoped3A_32 : memref<!tpu.dma_semaphore, #tpu.memory_space<semaphore_mem>>) src(%arg9 : memref<128x128xf32, #tpu.memory_space<vmem>>) dst(%dma_wait3A_38 : memref<10240x128xf32, #tpu.memory_space<vmem_shared>>)
        tpu.yield
      }) : () -> ()
    }
    %barrier3A_16 = arith.constant 0 : index
    tpu.barrier barrier_id(%barrier3A_16)
    %mul3A_17 = arith.constant 640 : i32
    %mul3A_18 = arith.muli %arg1, %mul3A_17 : i32
    %mul3A_19 = arith.constant 640 : i32
    %mul3A_20 = arith.muli %arg1, %mul3A_19 : i32
    "tpu.region"() ({
      %run_scoped3A = tpu.sem_alloc : memref<!tpu.dma_semaphore, #tpu.memory_space<semaphore_mem>>
      %dma_start3A = arith.constant 0 : i32
      %dma_start3A_21 = tpu.memref_slice %arg5[%arg0, %mul3A_20, %dma_start3A] : memref<2x10240x128xf32, #tpu.memory_space<hbm>> -> memref<1x640x128xf32, #tpu.memory_space<hbm>>
      %dma_start3A_22 = tpu.memref_squeeze %dma_start3A_21 : memref<1x640x128xf32, #tpu.memory_space<hbm>> -> memref<640x128xf32, #tpu.memory_space<hbm>>
      %dma_start3A_23 = arith.constant 0 : i32
      %dma_start3A_24 = tpu.memref_slice %arg6[%mul3A_18, %dma_start3A_23] : memref<10240x128xf32, #tpu.memory_space<vmem_shared>> -> memref<640x128xf32, #tpu.memory_space<vmem_shared>>
      tpu.enqueue_dma source(%dma_start3A_24 : memref<640x128xf32, #tpu.memory_space<vmem_shared>>) target(%dma_start3A_22 : memref<640x128xf32, #tpu.memory_space<hbm>>) target_semaphore(%run_scoped3A : memref<!tpu.dma_semaphore, #tpu.memory_space<semaphore_mem>>)
      %dma_wait3A = arith.constant 0 : i32
      %dma_wait3A_25 = tpu.memref_slice %arg5[%arg0, %mul3A_20, %dma_wait3A] : memref<2x10240x128xf32, #tpu.memory_space<hbm>> -> memref<1x640x128xf32, #tpu.memory_space<hbm>>
      %dma_wait3A_26 = tpu.memref_squeeze %dma_wait3A_25 : memref<1x640x128xf32, #tpu.memory_space<hbm>> -> memref<640x128xf32, #tpu.memory_space<hbm>>
      %dma_wait3A_27 = arith.constant 0 : i32
      %dma_wait3A_28 = tpu.memref_slice %arg6[%mul3A_18, %dma_wait3A_27] : memref<10240x128xf32, #tpu.memory_space<vmem_shared>> -> memref<640x128xf32, #tpu.memory_space<vmem_shared>>
      tpu.wait_dma2 semaphore(%run_scoped3A : memref<!tpu.dma_semaphore, #tpu.memory_space<semaphore_mem>>) src(%dma_wait3A_28 : memref<640x128xf32, #tpu.memory_space<vmem_shared>>) dst(%dma_wait3A_26 : memref<640x128xf32, #tpu.memory_space<hbm>>)
      tpu.yield
    }) : () -> ()
    return
  }
}

#map = affine_map<(d0, d1) -> (0, 0)>
#map1 = affine_map<(d0, d1) -> (0, 0, 0)>
module attributes {stable_mosaic.version = 14 : i64} {
  func.func @_sc_edge_body(%arg0: i32, %arg1: i32, %arg2: memref<10000x128xf32, #tpu.memory_space<hbm>>, %arg3: memref<2x320000xi32, #tpu.memory_space<hbm>>, %arg4: memref<640x128xf32, #tpu.memory_space<hbm>>, %arg5: memref<2x10240x128xf32, #tpu.memory_space<hbm>>, %arg6: memref<10240x128xf32, #tpu.memory_space<vmem_shared>>, %arg7: memref<128xi32, #tpu.memory_space<vmem>>, %arg8: memref<128xi32, #tpu.memory_space<vmem>>, %arg9: memref<128x128xf32, #tpu.memory_space<vmem>>, %arg10: memref<!tpu.dma_semaphore, #tpu.memory_space<semaphore_mem>>) attributes {dimension_semantics = [#tpu.dimension_semantics<core_parallel>, #tpu.dimension_semantics<subcore_parallel>], iteration_bounds = array<i64: 2, 16>, scalar_prefetch = 0 : i64, scratch_operands = 5 : i64, tpu.core_type = #tpu.core_type<sc_vector_subcore>, window_params = [{transform_indices = #map}, {transform_indices = #map}, {transform_indices = #map}, {transform_indices = #map1}]} {
    %mul3A = arith.constant 2 : i32
    %mul3A_0 = arith.muli %arg1, %mul3A : i32
    %add3A = arith.addi %mul3A_0, %arg0 : i32
    %mul3A_1 = arith.constant 640 : i32
    %mul3A_2 = arith.muli %arg1, %mul3A_1 : i32
    "tpu.region"() ({
      %run_scoped3A = tpu.sem_alloc : memref<!tpu.dma_semaphore, #tpu.memory_space<semaphore_mem>>
      %dma_start3A = arith.constant 0 : i32
      %dma_start3A_21 = tpu.memref_slice %arg6[%mul3A_2, %dma_start3A] : memref<10240x128xf32, #tpu.memory_space<vmem_shared>> -> memref<640x128xf32, #tpu.memory_space<vmem_shared>>
      tpu.enqueue_dma source(%arg4 : memref<640x128xf32, #tpu.memory_space<hbm>>) target(%dma_start3A_21 : memref<640x128xf32, #tpu.memory_space<vmem_shared>>) target_semaphore(%run_scoped3A : memref<!tpu.dma_semaphore, #tpu.memory_space<semaphore_mem>>)
      %dma_wait3A = arith.constant 0 : i32
      %dma_wait3A_22 = tpu.memref_slice %arg6[%mul3A_2, %dma_wait3A] : memref<10240x128xf32, #tpu.memory_space<vmem_shared>> -> memref<640x128xf32, #tpu.memory_space<vmem_shared>>
      tpu.wait_dma2 semaphore(%run_scoped3A : memref<!tpu.dma_semaphore, #tpu.memory_space<semaphore_mem>>) src(%arg4 : memref<640x128xf32, #tpu.memory_space<hbm>>) dst(%dma_wait3A_22 : memref<640x128xf32, #tpu.memory_space<vmem_shared>>)
      tpu.yield
    }) : () -> ()
    %barrier3A = arith.constant 0 : index
    tpu.barrier barrier_id(%barrier3A)
    %lt3A = arith.constant 4 : i32
    %lt3A_3 = arith.cmpi slt, %add3A, %lt3A : i32
    %jit3A = arith.constant 1 : i32
    %jit3A_4 = arith.constant 0 : i32
    %select_n3A = arith.select %lt3A_3, %jit3A, %jit3A_4 : i32
    %add3A_5 = arith.constant 78 : i32
    %add3A_6 = arith.addi %add3A_5, %select_n3A : i32
    %while3A = arith.constant 0 : i32
    %while3A_7 = arith.constant 0 : i32
    %while3A_8 = arith.subi %add3A_6, %while3A_7 : i32
    %while3A_9 = arith.addi %while3A_7, %while3A_8 : i32
    %while3A_10 = arith.constant 1 : i32
    %while3A_11 = arith.divsi %while3A_8, %while3A_10 : i32
    %while3A_12 = arith.muli %while3A_11, %while3A_10 : i32
    %while3A_13 = arith.addi %while3A_7, %while3A_12 : i32
    %while3A_14 = arith.constant 1 : i32
    scf.for %while3A_21 = %while3A_7 to %while3A_13 step %while3A_14  : i32 {
      %mul3A_22 = arith.constant 32 : i32
      %mul3A_23 = arith.muli %mul3A_22, %while3A_21 : i32
      %add3A_24 = arith.addi %add3A, %mul3A_23 : i32
      %mul3A_25 = arith.constant 128 : i32
      %mul3A_26 = arith.muli %add3A_24, %mul3A_25 : i32
      %run_scoped3A = arith.constant 0 : i32
      "tpu.region"() ({
        %run_scoped3A_32 = tpu.sem_alloc : memref<!tpu.dma_semaphore, #tpu.memory_space<semaphore_mem>>
        %dma_start3A_33 = tpu.memref_slice %arg3[%run_scoped3A, %mul3A_26] : memref<2x320000xi32, #tpu.memory_space<hbm>> -> memref<1x128xi32, #tpu.memory_space<hbm>>
        %dma_start3A_34 = tpu.memref_squeeze %dma_start3A_33 : memref<1x128xi32, #tpu.memory_space<hbm>> -> memref<128xi32, #tpu.memory_space<hbm>>
        %dma_start3A_35 = tpu.memref_slice %arg3[%run_scoped3A, %mul3A_26] : memref<2x320000xi32, #tpu.memory_space<hbm>> -> memref<1x128xi32, #tpu.memory_space<hbm>>
        %dma_start3A_36 = tpu.memref_squeeze %dma_start3A_35 : memref<1x128xi32, #tpu.memory_space<hbm>> -> memref<128xi32, #tpu.memory_space<hbm>>
        tpu.enqueue_dma source(%dma_start3A_36 : memref<128xi32, #tpu.memory_space<hbm>>) target(%arg7 : memref<128xi32, #tpu.memory_space<vmem>>) target_semaphore(%run_scoped3A_32 : memref<!tpu.dma_semaphore, #tpu.memory_space<semaphore_mem>>)
        %dma_wait3A_37 = tpu.memref_slice %arg3[%run_scoped3A, %mul3A_26] : memref<2x320000xi32, #tpu.memory_space<hbm>> -> memref<1x128xi32, #tpu.memory_space<hbm>>
        %dma_wait3A_38 = tpu.memref_squeeze %dma_wait3A_37 : memref<1x128xi32, #tpu.memory_space<hbm>> -> memref<128xi32, #tpu.memory_space<hbm>>
        %dma_wait3A_39 = tpu.memref_slice %arg3[%run_scoped3A, %mul3A_26] : memref<2x320000xi32, #tpu.memory_space<hbm>> -> memref<1x128xi32, #tpu.memory_space<hbm>>
        %dma_wait3A_40 = tpu.memref_squeeze %dma_wait3A_39 : memref<1x128xi32, #tpu.memory_space<hbm>> -> memref<128xi32, #tpu.memory_space<hbm>>
        tpu.wait_dma2 semaphore(%run_scoped3A_32 : memref<!tpu.dma_semaphore, #tpu.memory_space<semaphore_mem>>) src(%dma_wait3A_40 : memref<128xi32, #tpu.memory_space<hbm>>) dst(%arg7 : memref<128xi32, #tpu.memory_space<vmem>>)
        tpu.yield
      }) : () -> ()
      %run_scoped3A_27 = arith.constant 1 : i32
      "tpu.region"() ({
        %run_scoped3A_32 = tpu.sem_alloc : memref<!tpu.dma_semaphore, #tpu.memory_space<semaphore_mem>>
        %dma_start3A_33 = tpu.memref_slice %arg3[%run_scoped3A_27, %mul3A_26] : memref<2x320000xi32, #tpu.memory_space<hbm>> -> memref<1x128xi32, #tpu.memory_space<hbm>>
        %dma_start3A_34 = tpu.memref_squeeze %dma_start3A_33 : memref<1x128xi32, #tpu.memory_space<hbm>> -> memref<128xi32, #tpu.memory_space<hbm>>
        %dma_start3A_35 = tpu.memref_slice %arg3[%run_scoped3A_27, %mul3A_26] : memref<2x320000xi32, #tpu.memory_space<hbm>> -> memref<1x128xi32, #tpu.memory_space<hbm>>
        %dma_start3A_36 = tpu.memref_squeeze %dma_start3A_35 : memref<1x128xi32, #tpu.memory_space<hbm>> -> memref<128xi32, #tpu.memory_space<hbm>>
        tpu.enqueue_dma source(%dma_start3A_36 : memref<128xi32, #tpu.memory_space<hbm>>) target(%arg8 : memref<128xi32, #tpu.memory_space<vmem>>) target_semaphore(%run_scoped3A_32 : memref<!tpu.dma_semaphore, #tpu.memory_space<semaphore_mem>>)
        %dma_wait3A_37 = tpu.memref_slice %arg3[%run_scoped3A_27, %mul3A_26] : memref<2x320000xi32, #tpu.memory_space<hbm>> -> memref<1x128xi32, #tpu.memory_space<hbm>>
        %dma_wait3A_38 = tpu.memref_squeeze %dma_wait3A_37 : memref<1x128xi32, #tpu.memory_space<hbm>> -> memref<128xi32, #tpu.memory_space<hbm>>
        %dma_wait3A_39 = tpu.memref_slice %arg3[%run_scoped3A_27, %mul3A_26] : memref<2x320000xi32, #tpu.memory_space<hbm>> -> memref<1x128xi32, #tpu.memory_space<hbm>>
        %dma_wait3A_40 = tpu.memref_squeeze %dma_wait3A_39 : memref<1x128xi32, #tpu.memory_space<hbm>> -> memref<128xi32, #tpu.memory_space<hbm>>
        tpu.wait_dma2 semaphore(%run_scoped3A_32 : memref<!tpu.dma_semaphore, #tpu.memory_space<semaphore_mem>>) src(%dma_wait3A_40 : memref<128xi32, #tpu.memory_space<hbm>>) dst(%arg8 : memref<128xi32, #tpu.memory_space<vmem>>)
        tpu.yield
      }) : () -> ()
      %dma_start3A = arith.constant 0 : i32
      %dma_start3A_28 = arith.constant 0 : i32
      %dma_start3A_29 = tpu.memref_slice %arg2[%dma_start3A, %dma_start3A_28] : memref<10000x128xf32, #tpu.memory_space<hbm>> -> memref<10000x128xf32, #tpu.memory_space<hbm>>
      tpu.enqueue_indirect_dma source(%dma_start3A_29 : memref<10000x128xf32, #tpu.memory_space<hbm>>) target(%arg9 : memref<128x128xf32, #tpu.memory_space<vmem>>) offsets(%arg7 : memref<128xi32, #tpu.memory_space<vmem>>) semaphore(%arg10 : memref<!tpu.dma_semaphore, #tpu.memory_space<semaphore_mem>>)
      %dma_wait3A = arith.constant 0 : i32
      %dma_wait3A_30 = arith.constant 0 : i32
      %dma_wait3A_31 = tpu.memref_slice %arg2[%dma_wait3A, %dma_wait3A_30] : memref<10000x128xf32, #tpu.memory_space<hbm>> -> memref<10000x128xf32, #tpu.memory_space<hbm>>
      tpu.wait_indirect_dma semaphore(%arg10 : memref<!tpu.dma_semaphore, #tpu.memory_space<semaphore_mem>>) src(%dma_wait3A_31 : memref<10000x128xf32, #tpu.memory_space<hbm>>) dst(%arg9 : memref<128x128xf32, #tpu.memory_space<vmem>>)
      "tpu.region"() ({
        %run_scoped3A_32 = tpu.sem_alloc : memref<!tpu.dma_semaphore, #tpu.memory_space<semaphore_mem>>
        %dma_start3A_33 = arith.constant 0 : i32
        %dma_start3A_34 = arith.constant 0 : i32
        %dma_start3A_35 = tpu.memref_slice %arg6[%dma_start3A_33, %dma_start3A_34] : memref<10240x128xf32, #tpu.memory_space<vmem_shared>> -> memref<10240x128xf32, #tpu.memory_space<vmem_shared>>
        tpu.enqueue_indirect_dma source(%arg9 : memref<128x128xf32, #tpu.memory_space<vmem>>) target(%dma_start3A_35 : memref<10240x128xf32, #tpu.memory_space<vmem_shared>>) offsets(%arg8 : memref<128xi32, #tpu.memory_space<vmem>>) semaphore(%run_scoped3A_32 : memref<!tpu.dma_semaphore, #tpu.memory_space<semaphore_mem>>) {add = true}
        %dma_wait3A_36 = arith.constant 0 : i32
        %dma_wait3A_37 = arith.constant 0 : i32
        %dma_wait3A_38 = tpu.memref_slice %arg6[%dma_wait3A_36, %dma_wait3A_37] : memref<10240x128xf32, #tpu.memory_space<vmem_shared>> -> memref<10240x128xf32, #tpu.memory_space<vmem_shared>>
        tpu.wait_indirect_dma semaphore(%run_scoped3A_32 : memref<!tpu.dma_semaphore, #tpu.memory_space<semaphore_mem>>) src(%arg9 : memref<128x128xf32, #tpu.memory_space<vmem>>) dst(%dma_wait3A_38 : memref<10240x128xf32, #tpu.memory_space<vmem_shared>>)
        tpu.yield
      }) : () -> ()
    }
    %while3A_15 = arith.constant 1 : i32
    scf.for %while3A_21 = %while3A_13 to %while3A_9 step %while3A_15  : i32 {
      %mul3A_22 = arith.constant 32 : i32
      %mul3A_23 = arith.muli %mul3A_22, %while3A_21 : i32
      %add3A_24 = arith.addi %add3A, %mul3A_23 : i32
      %mul3A_25 = arith.constant 128 : i32
      %mul3A_26 = arith.muli %add3A_24, %mul3A_25 : i32
      %run_scoped3A = arith.constant 0 : i32
      "tpu.region"() ({
        %run_scoped3A_32 = tpu.sem_alloc : memref<!tpu.dma_semaphore, #tpu.memory_space<semaphore_mem>>
        %dma_start3A_33 = tpu.memref_slice %arg3[%run_scoped3A, %mul3A_26] : memref<2x320000xi32, #tpu.memory_space<hbm>> -> memref<1x128xi32, #tpu.memory_space<hbm>>
        %dma_start3A_34 = tpu.memref_squeeze %dma_start3A_33 : memref<1x128xi32, #tpu.memory_space<hbm>> -> memref<128xi32, #tpu.memory_space<hbm>>
        %dma_start3A_35 = tpu.memref_slice %arg3[%run_scoped3A, %mul3A_26] : memref<2x320000xi32, #tpu.memory_space<hbm>> -> memref<1x128xi32, #tpu.memory_space<hbm>>
        %dma_start3A_36 = tpu.memref_squeeze %dma_start3A_35 : memref<1x128xi32, #tpu.memory_space<hbm>> -> memref<128xi32, #tpu.memory_space<hbm>>
        tpu.enqueue_dma source(%dma_start3A_36 : memref<128xi32, #tpu.memory_space<hbm>>) target(%arg7 : memref<128xi32, #tpu.memory_space<vmem>>) target_semaphore(%run_scoped3A_32 : memref<!tpu.dma_semaphore, #tpu.memory_space<semaphore_mem>>)
        %dma_wait3A_37 = tpu.memref_slice %arg3[%run_scoped3A, %mul3A_26] : memref<2x320000xi32, #tpu.memory_space<hbm>> -> memref<1x128xi32, #tpu.memory_space<hbm>>
        %dma_wait3A_38 = tpu.memref_squeeze %dma_wait3A_37 : memref<1x128xi32, #tpu.memory_space<hbm>> -> memref<128xi32, #tpu.memory_space<hbm>>
        %dma_wait3A_39 = tpu.memref_slice %arg3[%run_scoped3A, %mul3A_26] : memref<2x320000xi32, #tpu.memory_space<hbm>> -> memref<1x128xi32, #tpu.memory_space<hbm>>
        %dma_wait3A_40 = tpu.memref_squeeze %dma_wait3A_39 : memref<1x128xi32, #tpu.memory_space<hbm>> -> memref<128xi32, #tpu.memory_space<hbm>>
        tpu.wait_dma2 semaphore(%run_scoped3A_32 : memref<!tpu.dma_semaphore, #tpu.memory_space<semaphore_mem>>) src(%dma_wait3A_40 : memref<128xi32, #tpu.memory_space<hbm>>) dst(%arg7 : memref<128xi32, #tpu.memory_space<vmem>>)
        tpu.yield
      }) : () -> ()
      %run_scoped3A_27 = arith.constant 1 : i32
      "tpu.region"() ({
        %run_scoped3A_32 = tpu.sem_alloc : memref<!tpu.dma_semaphore, #tpu.memory_space<semaphore_mem>>
        %dma_start3A_33 = tpu.memref_slice %arg3[%run_scoped3A_27, %mul3A_26] : memref<2x320000xi32, #tpu.memory_space<hbm>> -> memref<1x128xi32, #tpu.memory_space<hbm>>
        %dma_start3A_34 = tpu.memref_squeeze %dma_start3A_33 : memref<1x128xi32, #tpu.memory_space<hbm>> -> memref<128xi32, #tpu.memory_space<hbm>>
        %dma_start3A_35 = tpu.memref_slice %arg3[%run_scoped3A_27, %mul3A_26] : memref<2x320000xi32, #tpu.memory_space<hbm>> -> memref<1x128xi32, #tpu.memory_space<hbm>>
        %dma_start3A_36 = tpu.memref_squeeze %dma_start3A_35 : memref<1x128xi32, #tpu.memory_space<hbm>> -> memref<128xi32, #tpu.memory_space<hbm>>
        tpu.enqueue_dma source(%dma_start3A_36 : memref<128xi32, #tpu.memory_space<hbm>>) target(%arg8 : memref<128xi32, #tpu.memory_space<vmem>>) target_semaphore(%run_scoped3A_32 : memref<!tpu.dma_semaphore, #tpu.memory_space<semaphore_mem>>)
        %dma_wait3A_37 = tpu.memref_slice %arg3[%run_scoped3A_27, %mul3A_26] : memref<2x320000xi32, #tpu.memory_space<hbm>> -> memref<1x128xi32, #tpu.memory_space<hbm>>
        %dma_wait3A_38 = tpu.memref_squeeze %dma_wait3A_37 : memref<1x128xi32, #tpu.memory_space<hbm>> -> memref<128xi32, #tpu.memory_space<hbm>>
        %dma_wait3A_39 = tpu.memref_slice %arg3[%run_scoped3A_27, %mul3A_26] : memref<2x320000xi32, #tpu.memory_space<hbm>> -> memref<1x128xi32, #tpu.memory_space<hbm>>
        %dma_wait3A_40 = tpu.memref_squeeze %dma_wait3A_39 : memref<1x128xi32, #tpu.memory_space<hbm>> -> memref<128xi32, #tpu.memory_space<hbm>>
        tpu.wait_dma2 semaphore(%run_scoped3A_32 : memref<!tpu.dma_semaphore, #tpu.memory_space<semaphore_mem>>) src(%dma_wait3A_40 : memref<128xi32, #tpu.memory_space<hbm>>) dst(%arg8 : memref<128xi32, #tpu.memory_space<vmem>>)
        tpu.yield
      }) : () -> ()
      %dma_start3A = arith.constant 0 : i32
      %dma_start3A_28 = arith.constant 0 : i32
      %dma_start3A_29 = tpu.memref_slice %arg2[%dma_start3A, %dma_start3A_28] : memref<10000x128xf32, #tpu.memory_space<hbm>> -> memref<10000x128xf32, #tpu.memory_space<hbm>>
      tpu.enqueue_indirect_dma source(%dma_start3A_29 : memref<10000x128xf32, #tpu.memory_space<hbm>>) target(%arg9 : memref<128x128xf32, #tpu.memory_space<vmem>>) offsets(%arg7 : memref<128xi32, #tpu.memory_space<vmem>>) semaphore(%arg10 : memref<!tpu.dma_semaphore, #tpu.memory_space<semaphore_mem>>)
      %dma_wait3A = arith.constant 0 : i32
      %dma_wait3A_30 = arith.constant 0 : i32
      %dma_wait3A_31 = tpu.memref_slice %arg2[%dma_wait3A, %dma_wait3A_30] : memref<10000x128xf32, #tpu.memory_space<hbm>> -> memref<10000x128xf32, #tpu.memory_space<hbm>>
      tpu.wait_indirect_dma semaphore(%arg10 : memref<!tpu.dma_semaphore, #tpu.memory_space<semaphore_mem>>) src(%dma_wait3A_31 : memref<10000x128xf32, #tpu.memory_space<hbm>>) dst(%arg9 : memref<128x128xf32, #tpu.memory_space<vmem>>)
      "tpu.region"() ({
        %run_scoped3A_32 = tpu.sem_alloc : memref<!tpu.dma_semaphore, #tpu.memory_space<semaphore_mem>>
        %dma_start3A_33 = arith.constant 0 : i32
        %dma_start3A_34 = arith.constant 0 : i32
        %dma_start3A_35 = tpu.memref_slice %arg6[%dma_start3A_33, %dma_start3A_34] : memref<10240x128xf32, #tpu.memory_space<vmem_shared>> -> memref<10240x128xf32, #tpu.memory_space<vmem_shared>>
        tpu.enqueue_indirect_dma source(%arg9 : memref<128x128xf32, #tpu.memory_space<vmem>>) target(%dma_start3A_35 : memref<10240x128xf32, #tpu.memory_space<vmem_shared>>) offsets(%arg8 : memref<128xi32, #tpu.memory_space<vmem>>) semaphore(%run_scoped3A_32 : memref<!tpu.dma_semaphore, #tpu.memory_space<semaphore_mem>>) {add = true}
        %dma_wait3A_36 = arith.constant 0 : i32
        %dma_wait3A_37 = arith.constant 0 : i32
        %dma_wait3A_38 = tpu.memref_slice %arg6[%dma_wait3A_36, %dma_wait3A_37] : memref<10240x128xf32, #tpu.memory_space<vmem_shared>> -> memref<10240x128xf32, #tpu.memory_space<vmem_shared>>
        tpu.wait_indirect_dma semaphore(%run_scoped3A_32 : memref<!tpu.dma_semaphore, #tpu.memory_space<semaphore_mem>>) src(%arg9 : memref<128x128xf32, #tpu.memory_space<vmem>>) dst(%dma_wait3A_38 : memref<10240x128xf32, #tpu.memory_space<vmem_shared>>)
        tpu.yield
      }) : () -> ()
    }
    %barrier3A_16 = arith.constant 0 : index
    tpu.barrier barrier_id(%barrier3A_16)
    %mul3A_17 = arith.constant 640 : i32
    %mul3A_18 = arith.muli %arg1, %mul3A_17 : i32
    %mul3A_19 = arith.constant 640 : i32
    %mul3A_20 = arith.muli %arg1, %mul3A_19 : i32
    "tpu.region"() ({
      %run_scoped3A = tpu.sem_alloc : memref<!tpu.dma_semaphore, #tpu.memory_space<semaphore_mem>>
      %dma_start3A = arith.constant 0 : i32
      %dma_start3A_21 = tpu.memref_slice %arg5[%arg0, %mul3A_20, %dma_start3A] : memref<2x10240x128xf32, #tpu.memory_space<hbm>> -> memref<1x640x128xf32, #tpu.memory_space<hbm>>
      %dma_start3A_22 = tpu.memref_squeeze %dma_start3A_21 : memref<1x640x128xf32, #tpu.memory_space<hbm>> -> memref<640x128xf32, #tpu.memory_space<hbm>>
      %dma_start3A_23 = arith.constant 0 : i32
      %dma_start3A_24 = tpu.memref_slice %arg6[%mul3A_18, %dma_start3A_23] : memref<10240x128xf32, #tpu.memory_space<vmem_shared>> -> memref<640x128xf32, #tpu.memory_space<vmem_shared>>
      tpu.enqueue_dma source(%dma_start3A_24 : memref<640x128xf32, #tpu.memory_space<vmem_shared>>) target(%dma_start3A_22 : memref<640x128xf32, #tpu.memory_space<hbm>>) target_semaphore(%run_scoped3A : memref<!tpu.dma_semaphore, #tpu.memory_space<semaphore_mem>>)
      %dma_wait3A = arith.constant 0 : i32
      %dma_wait3A_25 = tpu.memref_slice %arg5[%arg0, %mul3A_20, %dma_wait3A] : memref<2x10240x128xf32, #tpu.memory_space<hbm>> -> memref<1x640x128xf32, #tpu.memory_space<hbm>>
      %dma_wait3A_26 = tpu.memref_squeeze %dma_wait3A_25 : memref<1x640x128xf32, #tpu.memory_space<hbm>> -> memref<640x128xf32, #tpu.memory_space<hbm>>
      %dma_wait3A_27 = arith.constant 0 : i32
      %dma_wait3A_28 = tpu.memref_slice %arg6[%mul3A_18, %dma_wait3A_27] : memref<10240x128xf32, #tpu.memory_space<vmem_shared>> -> memref<640x128xf32, #tpu.memory_space<vmem_shared>>
      tpu.wait_dma2 semaphore(%run_scoped3A : memref<!tpu.dma_semaphore, #tpu.memory_space<semaphore_mem>>) src(%dma_wait3A_28 : memref<640x128xf32, #tpu.memory_space<vmem_shared>>) dst(%dma_wait3A_26 : memref<640x128xf32, #tpu.memory_space<hbm>>)
      tpu.yield
    }) : () -> ()
    return
  }
}

#map = affine_map<(d0, d1) -> (0, 0)>
#map1 = affine_map<(d0, d1) -> (0, 0, 0)>
module attributes {stable_mosaic.version = 14 : i64} {
  func.func @_sc_edge_body(%arg0: i32, %arg1: i32, %arg2: memref<10000x128xf32, #tpu.memory_space<hbm>>, %arg3: memref<2x320000xi32, #tpu.memory_space<hbm>>, %arg4: memref<640x128xf32, #tpu.memory_space<hbm>>, %arg5: memref<2x10240x128xf32, #tpu.memory_space<hbm>>, %arg6: memref<10240x128xf32, #tpu.memory_space<vmem_shared>>, %arg7: memref<128xi32, #tpu.memory_space<vmem>>, %arg8: memref<128xi32, #tpu.memory_space<vmem>>, %arg9: memref<128x128xf32, #tpu.memory_space<vmem>>, %arg10: memref<!tpu.dma_semaphore, #tpu.memory_space<semaphore_mem>>) attributes {dimension_semantics = [#tpu.dimension_semantics<core_parallel>, #tpu.dimension_semantics<subcore_parallel>], iteration_bounds = array<i64: 2, 16>, scalar_prefetch = 0 : i64, scratch_operands = 5 : i64, tpu.core_type = #tpu.core_type<sc_vector_subcore>, window_params = [{transform_indices = #map}, {transform_indices = #map}, {transform_indices = #map}, {transform_indices = #map1}]} {
    %mul3A = arith.constant 2 : i32
    %mul3A_0 = arith.muli %arg1, %mul3A : i32
    %add3A = arith.addi %mul3A_0, %arg0 : i32
    %mul3A_1 = arith.constant 640 : i32
    %mul3A_2 = arith.muli %arg1, %mul3A_1 : i32
    "tpu.region"() ({
      %run_scoped3A = tpu.sem_alloc : memref<!tpu.dma_semaphore, #tpu.memory_space<semaphore_mem>>
      %dma_start3A = arith.constant 0 : i32
      %dma_start3A_21 = tpu.memref_slice %arg6[%mul3A_2, %dma_start3A] : memref<10240x128xf32, #tpu.memory_space<vmem_shared>> -> memref<640x128xf32, #tpu.memory_space<vmem_shared>>
      tpu.enqueue_dma source(%arg4 : memref<640x128xf32, #tpu.memory_space<hbm>>) target(%dma_start3A_21 : memref<640x128xf32, #tpu.memory_space<vmem_shared>>) target_semaphore(%run_scoped3A : memref<!tpu.dma_semaphore, #tpu.memory_space<semaphore_mem>>)
      %dma_wait3A = arith.constant 0 : i32
      %dma_wait3A_22 = tpu.memref_slice %arg6[%mul3A_2, %dma_wait3A] : memref<10240x128xf32, #tpu.memory_space<vmem_shared>> -> memref<640x128xf32, #tpu.memory_space<vmem_shared>>
      tpu.wait_dma2 semaphore(%run_scoped3A : memref<!tpu.dma_semaphore, #tpu.memory_space<semaphore_mem>>) src(%arg4 : memref<640x128xf32, #tpu.memory_space<hbm>>) dst(%dma_wait3A_22 : memref<640x128xf32, #tpu.memory_space<vmem_shared>>)
      tpu.yield
    }) : () -> ()
    %barrier3A = arith.constant 0 : index
    tpu.barrier barrier_id(%barrier3A)
    %lt3A = arith.constant 4 : i32
    %lt3A_3 = arith.cmpi slt, %add3A, %lt3A : i32
    %jit3A = arith.constant 1 : i32
    %jit3A_4 = arith.constant 0 : i32
    %select_n3A = arith.select %lt3A_3, %jit3A, %jit3A_4 : i32
    %add3A_5 = arith.constant 78 : i32
    %add3A_6 = arith.addi %add3A_5, %select_n3A : i32
    %while3A = arith.constant 0 : i32
    %while3A_7 = arith.constant 0 : i32
    %while3A_8 = arith.subi %add3A_6, %while3A_7 : i32
    %while3A_9 = arith.addi %while3A_7, %while3A_8 : i32
    %while3A_10 = arith.constant 1 : i32
    %while3A_11 = arith.divsi %while3A_8, %while3A_10 : i32
    %while3A_12 = arith.muli %while3A_11, %while3A_10 : i32
    %while3A_13 = arith.addi %while3A_7, %while3A_12 : i32
    %while3A_14 = arith.constant 1 : i32
    scf.for %while3A_21 = %while3A_7 to %while3A_13 step %while3A_14  : i32 {
      %mul3A_22 = arith.constant 32 : i32
      %mul3A_23 = arith.muli %mul3A_22, %while3A_21 : i32
      %add3A_24 = arith.addi %add3A, %mul3A_23 : i32
      %mul3A_25 = arith.constant 128 : i32
      %mul3A_26 = arith.muli %add3A_24, %mul3A_25 : i32
      %run_scoped3A = arith.constant 0 : i32
      "tpu.region"() ({
        %run_scoped3A_32 = tpu.sem_alloc : memref<!tpu.dma_semaphore, #tpu.memory_space<semaphore_mem>>
        %dma_start3A_33 = tpu.memref_slice %arg3[%run_scoped3A, %mul3A_26] : memref<2x320000xi32, #tpu.memory_space<hbm>> -> memref<1x128xi32, #tpu.memory_space<hbm>>
        %dma_start3A_34 = tpu.memref_squeeze %dma_start3A_33 : memref<1x128xi32, #tpu.memory_space<hbm>> -> memref<128xi32, #tpu.memory_space<hbm>>
        %dma_start3A_35 = tpu.memref_slice %arg3[%run_scoped3A, %mul3A_26] : memref<2x320000xi32, #tpu.memory_space<hbm>> -> memref<1x128xi32, #tpu.memory_space<hbm>>
        %dma_start3A_36 = tpu.memref_squeeze %dma_start3A_35 : memref<1x128xi32, #tpu.memory_space<hbm>> -> memref<128xi32, #tpu.memory_space<hbm>>
        tpu.enqueue_dma source(%dma_start3A_36 : memref<128xi32, #tpu.memory_space<hbm>>) target(%arg7 : memref<128xi32, #tpu.memory_space<vmem>>) target_semaphore(%run_scoped3A_32 : memref<!tpu.dma_semaphore, #tpu.memory_space<semaphore_mem>>)
        %dma_wait3A_37 = tpu.memref_slice %arg3[%run_scoped3A, %mul3A_26] : memref<2x320000xi32, #tpu.memory_space<hbm>> -> memref<1x128xi32, #tpu.memory_space<hbm>>
        %dma_wait3A_38 = tpu.memref_squeeze %dma_wait3A_37 : memref<1x128xi32, #tpu.memory_space<hbm>> -> memref<128xi32, #tpu.memory_space<hbm>>
        %dma_wait3A_39 = tpu.memref_slice %arg3[%run_scoped3A, %mul3A_26] : memref<2x320000xi32, #tpu.memory_space<hbm>> -> memref<1x128xi32, #tpu.memory_space<hbm>>
        %dma_wait3A_40 = tpu.memref_squeeze %dma_wait3A_39 : memref<1x128xi32, #tpu.memory_space<hbm>> -> memref<128xi32, #tpu.memory_space<hbm>>
        tpu.wait_dma2 semaphore(%run_scoped3A_32 : memref<!tpu.dma_semaphore, #tpu.memory_space<semaphore_mem>>) src(%dma_wait3A_40 : memref<128xi32, #tpu.memory_space<hbm>>) dst(%arg7 : memref<128xi32, #tpu.memory_space<vmem>>)
        tpu.yield
      }) : () -> ()
      %run_scoped3A_27 = arith.constant 1 : i32
      "tpu.region"() ({
        %run_scoped3A_32 = tpu.sem_alloc : memref<!tpu.dma_semaphore, #tpu.memory_space<semaphore_mem>>
        %dma_start3A_33 = tpu.memref_slice %arg3[%run_scoped3A_27, %mul3A_26] : memref<2x320000xi32, #tpu.memory_space<hbm>> -> memref<1x128xi32, #tpu.memory_space<hbm>>
        %dma_start3A_34 = tpu.memref_squeeze %dma_start3A_33 : memref<1x128xi32, #tpu.memory_space<hbm>> -> memref<128xi32, #tpu.memory_space<hbm>>
        %dma_start3A_35 = tpu.memref_slice %arg3[%run_scoped3A_27, %mul3A_26] : memref<2x320000xi32, #tpu.memory_space<hbm>> -> memref<1x128xi32, #tpu.memory_space<hbm>>
        %dma_start3A_36 = tpu.memref_squeeze %dma_start3A_35 : memref<1x128xi32, #tpu.memory_space<hbm>> -> memref<128xi32, #tpu.memory_space<hbm>>
        tpu.enqueue_dma source(%dma_start3A_36 : memref<128xi32, #tpu.memory_space<hbm>>) target(%arg8 : memref<128xi32, #tpu.memory_space<vmem>>) target_semaphore(%run_scoped3A_32 : memref<!tpu.dma_semaphore, #tpu.memory_space<semaphore_mem>>)
        %dma_wait3A_37 = tpu.memref_slice %arg3[%run_scoped3A_27, %mul3A_26] : memref<2x320000xi32, #tpu.memory_space<hbm>> -> memref<1x128xi32, #tpu.memory_space<hbm>>
        %dma_wait3A_38 = tpu.memref_squeeze %dma_wait3A_37 : memref<1x128xi32, #tpu.memory_space<hbm>> -> memref<128xi32, #tpu.memory_space<hbm>>
        %dma_wait3A_39 = tpu.memref_slice %arg3[%run_scoped3A_27, %mul3A_26] : memref<2x320000xi32, #tpu.memory_space<hbm>> -> memref<1x128xi32, #tpu.memory_space<hbm>>
        %dma_wait3A_40 = tpu.memref_squeeze %dma_wait3A_39 : memref<1x128xi32, #tpu.memory_space<hbm>> -> memref<128xi32, #tpu.memory_space<hbm>>
        tpu.wait_dma2 semaphore(%run_scoped3A_32 : memref<!tpu.dma_semaphore, #tpu.memory_space<semaphore_mem>>) src(%dma_wait3A_40 : memref<128xi32, #tpu.memory_space<hbm>>) dst(%arg8 : memref<128xi32, #tpu.memory_space<vmem>>)
        tpu.yield
      }) : () -> ()
      %dma_start3A = arith.constant 0 : i32
      %dma_start3A_28 = arith.constant 0 : i32
      %dma_start3A_29 = tpu.memref_slice %arg2[%dma_start3A, %dma_start3A_28] : memref<10000x128xf32, #tpu.memory_space<hbm>> -> memref<10000x128xf32, #tpu.memory_space<hbm>>
      tpu.enqueue_indirect_dma source(%dma_start3A_29 : memref<10000x128xf32, #tpu.memory_space<hbm>>) target(%arg9 : memref<128x128xf32, #tpu.memory_space<vmem>>) offsets(%arg7 : memref<128xi32, #tpu.memory_space<vmem>>) semaphore(%arg10 : memref<!tpu.dma_semaphore, #tpu.memory_space<semaphore_mem>>)
      %dma_wait3A = arith.constant 0 : i32
      %dma_wait3A_30 = arith.constant 0 : i32
      %dma_wait3A_31 = tpu.memref_slice %arg2[%dma_wait3A, %dma_wait3A_30] : memref<10000x128xf32, #tpu.memory_space<hbm>> -> memref<10000x128xf32, #tpu.memory_space<hbm>>
      tpu.wait_indirect_dma semaphore(%arg10 : memref<!tpu.dma_semaphore, #tpu.memory_space<semaphore_mem>>) src(%dma_wait3A_31 : memref<10000x128xf32, #tpu.memory_space<hbm>>) dst(%arg9 : memref<128x128xf32, #tpu.memory_space<vmem>>)
      "tpu.region"() ({
        %run_scoped3A_32 = tpu.sem_alloc : memref<!tpu.dma_semaphore, #tpu.memory_space<semaphore_mem>>
        %dma_start3A_33 = arith.constant 0 : i32
        %dma_start3A_34 = arith.constant 0 : i32
        %dma_start3A_35 = tpu.memref_slice %arg6[%dma_start3A_33, %dma_start3A_34] : memref<10240x128xf32, #tpu.memory_space<vmem_shared>> -> memref<10240x128xf32, #tpu.memory_space<vmem_shared>>
        tpu.enqueue_indirect_dma source(%arg9 : memref<128x128xf32, #tpu.memory_space<vmem>>) target(%dma_start3A_35 : memref<10240x128xf32, #tpu.memory_space<vmem_shared>>) offsets(%arg8 : memref<128xi32, #tpu.memory_space<vmem>>) semaphore(%run_scoped3A_32 : memref<!tpu.dma_semaphore, #tpu.memory_space<semaphore_mem>>) {add = true}
        %dma_wait3A_36 = arith.constant 0 : i32
        %dma_wait3A_37 = arith.constant 0 : i32
        %dma_wait3A_38 = tpu.memref_slice %arg6[%dma_wait3A_36, %dma_wait3A_37] : memref<10240x128xf32, #tpu.memory_space<vmem_shared>> -> memref<10240x128xf32, #tpu.memory_space<vmem_shared>>
        tpu.wait_indirect_dma semaphore(%run_scoped3A_32 : memref<!tpu.dma_semaphore, #tpu.memory_space<semaphore_mem>>) src(%arg9 : memref<128x128xf32, #tpu.memory_space<vmem>>) dst(%dma_wait3A_38 : memref<10240x128xf32, #tpu.memory_space<vmem_shared>>)
        tpu.yield
      }) : () -> ()
    }
    %while3A_15 = arith.constant 1 : i32
    scf.for %while3A_21 = %while3A_13 to %while3A_9 step %while3A_15  : i32 {
      %mul3A_22 = arith.constant 32 : i32
      %mul3A_23 = arith.muli %mul3A_22, %while3A_21 : i32
      %add3A_24 = arith.addi %add3A, %mul3A_23 : i32
      %mul3A_25 = arith.constant 128 : i32
      %mul3A_26 = arith.muli %add3A_24, %mul3A_25 : i32
      %run_scoped3A = arith.constant 0 : i32
      "tpu.region"() ({
        %run_scoped3A_32 = tpu.sem_alloc : memref<!tpu.dma_semaphore, #tpu.memory_space<semaphore_mem>>
        %dma_start3A_33 = tpu.memref_slice %arg3[%run_scoped3A, %mul3A_26] : memref<2x320000xi32, #tpu.memory_space<hbm>> -> memref<1x128xi32, #tpu.memory_space<hbm>>
        %dma_start3A_34 = tpu.memref_squeeze %dma_start3A_33 : memref<1x128xi32, #tpu.memory_space<hbm>> -> memref<128xi32, #tpu.memory_space<hbm>>
        %dma_start3A_35 = tpu.memref_slice %arg3[%run_scoped3A, %mul3A_26] : memref<2x320000xi32, #tpu.memory_space<hbm>> -> memref<1x128xi32, #tpu.memory_space<hbm>>
        %dma_start3A_36 = tpu.memref_squeeze %dma_start3A_35 : memref<1x128xi32, #tpu.memory_space<hbm>> -> memref<128xi32, #tpu.memory_space<hbm>>
        tpu.enqueue_dma source(%dma_start3A_36 : memref<128xi32, #tpu.memory_space<hbm>>) target(%arg7 : memref<128xi32, #tpu.memory_space<vmem>>) target_semaphore(%run_scoped3A_32 : memref<!tpu.dma_semaphore, #tpu.memory_space<semaphore_mem>>)
        %dma_wait3A_37 = tpu.memref_slice %arg3[%run_scoped3A, %mul3A_26] : memref<2x320000xi32, #tpu.memory_space<hbm>> -> memref<1x128xi32, #tpu.memory_space<hbm>>
        %dma_wait3A_38 = tpu.memref_squeeze %dma_wait3A_37 : memref<1x128xi32, #tpu.memory_space<hbm>> -> memref<128xi32, #tpu.memory_space<hbm>>
        %dma_wait3A_39 = tpu.memref_slice %arg3[%run_scoped3A, %mul3A_26] : memref<2x320000xi32, #tpu.memory_space<hbm>> -> memref<1x128xi32, #tpu.memory_space<hbm>>
        %dma_wait3A_40 = tpu.memref_squeeze %dma_wait3A_39 : memref<1x128xi32, #tpu.memory_space<hbm>> -> memref<128xi32, #tpu.memory_space<hbm>>
        tpu.wait_dma2 semaphore(%run_scoped3A_32 : memref<!tpu.dma_semaphore, #tpu.memory_space<semaphore_mem>>) src(%dma_wait3A_40 : memref<128xi32, #tpu.memory_space<hbm>>) dst(%arg7 : memref<128xi32, #tpu.memory_space<vmem>>)
        tpu.yield
      }) : () -> ()
      %run_scoped3A_27 = arith.constant 1 : i32
      "tpu.region"() ({
        %run_scoped3A_32 = tpu.sem_alloc : memref<!tpu.dma_semaphore, #tpu.memory_space<semaphore_mem>>
        %dma_start3A_33 = tpu.memref_slice %arg3[%run_scoped3A_27, %mul3A_26] : memref<2x320000xi32, #tpu.memory_space<hbm>> -> memref<1x128xi32, #tpu.memory_space<hbm>>
        %dma_start3A_34 = tpu.memref_squeeze %dma_start3A_33 : memref<1x128xi32, #tpu.memory_space<hbm>> -> memref<128xi32, #tpu.memory_space<hbm>>
        %dma_start3A_35 = tpu.memref_slice %arg3[%run_scoped3A_27, %mul3A_26] : memref<2x320000xi32, #tpu.memory_space<hbm>> -> memref<1x128xi32, #tpu.memory_space<hbm>>
        %dma_start3A_36 = tpu.memref_squeeze %dma_start3A_35 : memref<1x128xi32, #tpu.memory_space<hbm>> -> memref<128xi32, #tpu.memory_space<hbm>>
        tpu.enqueue_dma source(%dma_start3A_36 : memref<128xi32, #tpu.memory_space<hbm>>) target(%arg8 : memref<128xi32, #tpu.memory_space<vmem>>) target_semaphore(%run_scoped3A_32 : memref<!tpu.dma_semaphore, #tpu.memory_space<semaphore_mem>>)
        %dma_wait3A_37 = tpu.memref_slice %arg3[%run_scoped3A_27, %mul3A_26] : memref<2x320000xi32, #tpu.memory_space<hbm>> -> memref<1x128xi32, #tpu.memory_space<hbm>>
        %dma_wait3A_38 = tpu.memref_squeeze %dma_wait3A_37 : memref<1x128xi32, #tpu.memory_space<hbm>> -> memref<128xi32, #tpu.memory_space<hbm>>
        %dma_wait3A_39 = tpu.memref_slice %arg3[%run_scoped3A_27, %mul3A_26] : memref<2x320000xi32, #tpu.memory_space<hbm>> -> memref<1x128xi32, #tpu.memory_space<hbm>>
        %dma_wait3A_40 = tpu.memref_squeeze %dma_wait3A_39 : memref<1x128xi32, #tpu.memory_space<hbm>> -> memref<128xi32, #tpu.memory_space<hbm>>
        tpu.wait_dma2 semaphore(%run_scoped3A_32 : memref<!tpu.dma_semaphore, #tpu.memory_space<semaphore_mem>>) src(%dma_wait3A_40 : memref<128xi32, #tpu.memory_space<hbm>>) dst(%arg8 : memref<128xi32, #tpu.memory_space<vmem>>)
        tpu.yield
      }) : () -> ()
      %dma_start3A = arith.constant 0 : i32
      %dma_start3A_28 = arith.constant 0 : i32
      %dma_start3A_29 = tpu.memref_slice %arg2[%dma_start3A, %dma_start3A_28] : memref<10000x128xf32, #tpu.memory_space<hbm>> -> memref<10000x128xf32, #tpu.memory_space<hbm>>
      tpu.enqueue_indirect_dma source(%dma_start3A_29 : memref<10000x128xf32, #tpu.memory_space<hbm>>) target(%arg9 : memref<128x128xf32, #tpu.memory_space<vmem>>) offsets(%arg7 : memref<128xi32, #tpu.memory_space<vmem>>) semaphore(%arg10 : memref<!tpu.dma_semaphore, #tpu.memory_space<semaphore_mem>>)
      %dma_wait3A = arith.constant 0 : i32
      %dma_wait3A_30 = arith.constant 0 : i32
      %dma_wait3A_31 = tpu.memref_slice %arg2[%dma_wait3A, %dma_wait3A_30] : memref<10000x128xf32, #tpu.memory_space<hbm>> -> memref<10000x128xf32, #tpu.memory_space<hbm>>
      tpu.wait_indirect_dma semaphore(%arg10 : memref<!tpu.dma_semaphore, #tpu.memory_space<semaphore_mem>>) src(%dma_wait3A_31 : memref<10000x128xf32, #tpu.memory_space<hbm>>) dst(%arg9 : memref<128x128xf32, #tpu.memory_space<vmem>>)
      "tpu.region"() ({
        %run_scoped3A_32 = tpu.sem_alloc : memref<!tpu.dma_semaphore, #tpu.memory_space<semaphore_mem>>
        %dma_start3A_33 = arith.constant 0 : i32
        %dma_start3A_34 = arith.constant 0 : i32
        %dma_start3A_35 = tpu.memref_slice %arg6[%dma_start3A_33, %dma_start3A_34] : memref<10240x128xf32, #tpu.memory_space<vmem_shared>> -> memref<10240x128xf32, #tpu.memory_space<vmem_shared>>
        tpu.enqueue_indirect_dma source(%arg9 : memref<128x128xf32, #tpu.memory_space<vmem>>) target(%dma_start3A_35 : memref<10240x128xf32, #tpu.memory_space<vmem_shared>>) offsets(%arg8 : memref<128xi32, #tpu.memory_space<vmem>>) semaphore(%run_scoped3A_32 : memref<!tpu.dma_semaphore, #tpu.memory_space<semaphore_mem>>) {add = true}
        %dma_wait3A_36 = arith.constant 0 : i32
        %dma_wait3A_37 = arith.constant 0 : i32
        %dma_wait3A_38 = tpu.memref_slice %arg6[%dma_wait3A_36, %dma_wait3A_37] : memref<10240x128xf32, #tpu.memory_space<vmem_shared>> -> memref<10240x128xf32, #tpu.memory_space<vmem_shared>>
        tpu.wait_indirect_dma semaphore(%run_scoped3A_32 : memref<!tpu.dma_semaphore, #tpu.memory_space<semaphore_mem>>) src(%arg9 : memref<128x128xf32, #tpu.memory_space<vmem>>) dst(%dma_wait3A_38 : memref<10240x128xf32, #tpu.memory_space<vmem_shared>>)
        tpu.yield
      }) : () -> ()
    }
    %barrier3A_16 = arith.constant 0 : index
    tpu.barrier barrier_id(%barrier3A_16)
    %mul3A_17 = arith.constant 640 : i32
    %mul3A_18 = arith.muli %arg1, %mul3A_17 : i32
    %mul3A_19 = arith.constant 640 : i32
    %mul3A_20 = arith.muli %arg1, %mul3A_19 : i32
    "tpu.region"() ({
      %run_scoped3A = tpu.sem_alloc : memref<!tpu.dma_semaphore, #tpu.memory_space<semaphore_mem>>
      %dma_start3A = arith.constant 0 : i32
      %dma_start3A_21 = tpu.memref_slice %arg5[%arg0, %mul3A_20, %dma_start3A] : memref<2x10240x128xf32, #tpu.memory_space<hbm>> -> memref<1x640x128xf32, #tpu.memory_space<hbm>>
      %dma_start3A_22 = tpu.memref_squeeze %dma_start3A_21 : memref<1x640x128xf32, #tpu.memory_space<hbm>> -> memref<640x128xf32, #tpu.memory_space<hbm>>
      %dma_start3A_23 = arith.constant 0 : i32
      %dma_start3A_24 = tpu.memref_slice %arg6[%mul3A_18, %dma_start3A_23] : memref<10240x128xf32, #tpu.memory_space<vmem_shared>> -> memref<640x128xf32, #tpu.memory_space<vmem_shared>>
      tpu.enqueue_dma source(%dma_start3A_24 : memref<640x128xf32, #tpu.memory_space<vmem_shared>>) target(%dma_start3A_22 : memref<640x128xf32, #tpu.memory_space<hbm>>) target_semaphore(%run_scoped3A : memref<!tpu.dma_semaphore, #tpu.memory_space<semaphore_mem>>)
      %dma_wait3A = arith.constant 0 : i32
      %dma_wait3A_25 = tpu.memref_slice %arg5[%arg0, %mul3A_20, %dma_wait3A] : memref<2x10240x128xf32, #tpu.memory_space<hbm>> -> memref<1x640x128xf32, #tpu.memory_space<hbm>>
      %dma_wait3A_26 = tpu.memref_squeeze %dma_wait3A_25 : memref<1x640x128xf32, #tpu.memory_space<hbm>> -> memref<640x128xf32, #tpu.memory_space<hbm>>
      %dma_wait3A_27 = arith.constant 0 : i32
      %dma_wait3A_28 = tpu.memref_slice %arg6[%mul3A_18, %dma_wait3A_27] : memref<10240x128xf32, #tpu.memory_space<vmem_shared>> -> memref<640x128xf32, #tpu.memory_space<vmem_shared>>
      tpu.wait_dma2 semaphore(%run_scoped3A : memref<!tpu.dma_semaphore, #tpu.memory_space<semaphore_mem>>) src(%dma_wait3A_28 : memref<640x128xf32, #tpu.memory_space<vmem_shared>>) dst(%dma_wait3A_26 : memref<640x128xf32, #tpu.memory_space<hbm>>)
      tpu.yield
    }) : () -> ()
    return
  }
}

module attributes {stable_mosaic.version = 14 : i64} {
  func.func @_tc_mid_body(%arg0: memref<2x10240x128xf32, #tpu.memory_space<vmem>>, %arg1: memref<10000x128xf32, #tpu.memory_space<vmem>>, %arg2: memref<10000x1xf32, #tpu.memory_space<vmem>>, %arg3: memref<1x128xf32, #tpu.memory_space<vmem>>, %arg4: memref<128x128xf32, #tpu.memory_space<vmem>>, %arg5: memref<10000x128xf32, #tpu.memory_space<vmem>>) attributes {dimension_semantics = [], scalar_prefetch = 0 : i64, scratch_operands = 0 : i64, tpu.core_type = #tpu.core_type<tc>} {
    %get3A = arith.constant 0 : index
    %get3A_0 = arith.constant 0 : index
    %get3A_1 = vector.load %arg2[%get3A, %get3A_0] : memref<10000x1xf32, #tpu.memory_space<vmem>>, vector<10000x1xf32>
    %get3A_2 = arith.constant 0 : index
    %get3A_3 = arith.constant 0 : index
    %get3A_4 = arith.constant 0 : index
    %get3A_5 = vector.load %arg0[%get3A_2, %get3A_3, %get3A_4] : memref<2x10240x128xf32, #tpu.memory_space<vmem>>, vector<1x10000x128xf32>
    %get3A_6 = vector.shape_cast %get3A_5 : vector<1x10000x128xf32> to vector<10000x128xf32>
    %get3A_7 = arith.constant 1 : index
    %get3A_8 = arith.constant 0 : index
    %get3A_9 = arith.constant 0 : index
    %get3A_10 = vector.load %arg0[%get3A_7, %get3A_8, %get3A_9] : memref<2x10240x128xf32, #tpu.memory_space<vmem>>, vector<1x10000x128xf32>
    %get3A_11 = vector.shape_cast %get3A_10 : vector<1x10000x128xf32> to vector<10000x128xf32>
    %add3A = arith.addf %get3A_6, %get3A_11 : vector<10000x128xf32>
    %get3A_12 = arith.constant 0 : index
    %get3A_13 = arith.constant 0 : index
    %get3A_14 = vector.load %arg1[%get3A_12, %get3A_13] : memref<10000x128xf32, #tpu.memory_space<vmem>>, vector<10000x128xf32>
    %add3A_15 = arith.addf %add3A, %get3A_14 : vector<10000x128xf32>
    %mul3A = vector.broadcast %get3A_1 : vector<10000x1xf32> to vector<10000x128xf32>
    %mul3A_16 = arith.mulf %mul3A, %add3A_15 : vector<10000x128xf32>
    %get3A_17 = arith.constant 0 : index
    %get3A_18 = arith.constant 0 : index
    %get3A_19 = vector.load %arg3[%get3A_17, %get3A_18] : memref<1x128xf32, #tpu.memory_space<vmem>>, vector<1x128xf32>
    %add3A_20 = vector.broadcast %get3A_19 : vector<1x128xf32> to vector<10000x128xf32>
    %add3A_21 = arith.addf %mul3A_16, %add3A_20 : vector<10000x128xf32>
    %max3A = arith.constant 0.000000e+00 : f32
    %max3A_22 = vector.broadcast %max3A : f32 to vector<10000x128xf32>
    %max3A_23 = arith.maximumf %add3A_21, %max3A_22 : vector<10000x128xf32>
    %get3A_24 = arith.constant 0 : index
    %get3A_25 = arith.constant 0 : index
    %get3A_26 = vector.load %arg4[%get3A_24, %get3A_25] : memref<128x128xf32, #tpu.memory_space<vmem>>, vector<128x128xf32>
    %dot_general3A = arith.constant dense<0.000000e+00> : vector<10000x128xf32>
    %dot_general3A_27 = tpu.matmul %max3A_23, %get3A_26, %dot_general3A {dimension_numbers = #tpu.dot_dimension_numbers<[1], [0], [0], [1], [0, 0, 1, 1], [], []>, transpose_lhs_hint = false} : vector<10000x128xf32>, vector<128x128xf32>, vector<10000x128xf32> -> vector<10000x128xf32>
    %mul3A_28 = vector.broadcast %get3A_1 : vector<10000x1xf32> to vector<10000x128xf32>
    %mul3A_29 = arith.mulf %dot_general3A_27, %mul3A_28 : vector<10000x128xf32>
    %swap3A = arith.constant 0 : index
    %swap3A_30 = arith.constant 0 : index
    %swap3A_31 = vector.load %arg5[%swap3A, %swap3A_30] : memref<10000x128xf32, #tpu.memory_space<vmem>>, vector<10000x128xf32>
    tpu.vector_store %arg5[%swap3A, %swap3A_30], %mul3A_29 {strides = array<i32>} : memref<10000x128xf32, #tpu.memory_space<vmem>>, vector<10000x128xf32>,
    return
  }
}

module attributes {stable_mosaic.version = 14 : i64} {
  func.func @_tc1_body(%arg0: memref<10000x128xf32, #tpu.memory_space<vmem>>, %arg1: memref<128x128xf32, #tpu.memory_space<vmem>>, %arg2: memref<2x10240x128xf32, #tpu.memory_space<vmem>>, %arg3: memref<10000x128xf32, #tpu.memory_space<vmem>>, %arg4: memref<10000x1xf32, #tpu.memory_space<vmem>>) attributes {dimension_semantics = [], scalar_prefetch = 0 : i64, scratch_operands = 0 : i64, tpu.core_type = #tpu.core_type<tc>} {
    %get3A = arith.constant 0 : index
    %get3A_0 = arith.constant 0 : index
    %get3A_1 = arith.constant 0 : index
    %get3A_2 = vector.load %arg2[%get3A, %get3A_0, %get3A_1] : memref<2x10240x128xf32, #tpu.memory_space<vmem>>, vector<1x10000x1xf32>
    %get3A_3 = vector.shape_cast %get3A_2 : vector<1x10000x1xf32> to vector<10000x1xf32>
    %get3A_4 = arith.constant 1 : index
    %get3A_5 = arith.constant 0 : index
    %get3A_6 = arith.constant 0 : index
    %get3A_7 = vector.load %arg2[%get3A_4, %get3A_5, %get3A_6] : memref<2x10240x128xf32, #tpu.memory_space<vmem>>, vector<1x10000x1xf32>
    %get3A_8 = vector.shape_cast %get3A_7 : vector<1x10000x1xf32> to vector<10000x1xf32>
    %add3A = arith.addf %get3A_3, %get3A_8 : vector<10000x1xf32>
    %add3A_9 = arith.constant 1.000000e+00 : f32
    %add3A_10 = vector.broadcast %add3A_9 : f32 to vector<10000x1xf32>
    %add3A_11 = arith.addf %add3A, %add3A_10 : vector<10000x1xf32>
    %rsqrt3A = math.rsqrt %add3A_11 : vector<10000x1xf32>
    %swap3A = arith.constant 0 : index
    %swap3A_12 = arith.constant 0 : index
    %swap3A_13 = vector.load %arg4[%swap3A, %swap3A_12] : memref<10000x1xf32, #tpu.memory_space<vmem>>, vector<10000x1xf32>
    tpu.vector_store %arg4[%swap3A, %swap3A_12], %rsqrt3A {strides = array<i32>} : memref<10000x1xf32, #tpu.memory_space<vmem>>, vector<10000x1xf32>,
    %get3A_14 = arith.constant 0 : index
    %get3A_15 = arith.constant 0 : index
    %get3A_16 = vector.load %arg0[%get3A_14, %get3A_15] : memref<10000x128xf32, #tpu.memory_space<vmem>>, vector<10000x128xf32>
    %get3A_17 = arith.constant 0 : index
    %get3A_18 = arith.constant 0 : index
    %get3A_19 = vector.load %arg1[%get3A_17, %get3A_18] : memref<128x128xf32, #tpu.memory_space<vmem>>, vector<128x128xf32>
    %dot_general3A = arith.constant dense<0.000000e+00> : vector<10000x128xf32>
    %dot_general3A_20 = tpu.matmul %get3A_16, %get3A_19, %dot_general3A {dimension_numbers = #tpu.dot_dimension_numbers<[1], [0], [0], [1], [0, 0, 1, 1], [], []>, transpose_lhs_hint = false} : vector<10000x128xf32>, vector<128x128xf32>, vector<10000x128xf32> -> vector<10000x128xf32>
    %mul3A = vector.broadcast %rsqrt3A : vector<10000x1xf32> to vector<10000x128xf32>
    %mul3A_21 = arith.mulf %dot_general3A_20, %mul3A : vector<10000x128xf32>
    %swap3A_22 = arith.constant 0 : index
    %swap3A_23 = arith.constant 0 : index
    %swap3A_24 = vector.load %arg3[%swap3A_22, %swap3A_23] : memref<10000x128xf32, #tpu.memory_space<vmem>>, vector<10000x128xf32>
    tpu.vector_store %arg3[%swap3A_22, %swap3A_23], %mul3A_21 {strides = array<i32>} : memref<10000x128xf32, #tpu.memory_space<vmem>>, vector<10000x128xf32>,
    return
  }
}

module attributes {stable_mosaic.version = 14 : i64} {
  func.func @_tc_fin_body(%arg0: memref<2x10240x128xf32, #tpu.memory_space<vmem>>, %arg1: memref<10000x128xf32, #tpu.memory_space<vmem>>, %arg2: memref<10000x1xf32, #tpu.memory_space<vmem>>, %arg3: memref<1x128xf32, #tpu.memory_space<vmem>>, %arg4: memref<1x10000xi32, #tpu.memory_space<vmem>>, %arg5: memref<128x10xf32, #tpu.memory_space<vmem>>, %arg6: memref<1x10xf32, #tpu.memory_space<vmem>>, %arg7: memref<128x10xf32, #tpu.memory_space<vmem>>) attributes {dimension_semantics = [], scalar_prefetch = 0 : i64, scratch_operands = 0 : i64, tpu.core_type = #tpu.core_type<tc>} {
    %get3A = arith.constant 0 : index
    %get3A_0 = arith.constant 0 : index
    %get3A_1 = vector.load %arg2[%get3A, %get3A_0] : memref<10000x1xf32, #tpu.memory_space<vmem>>, vector<10000x1xf32>
    %get3A_2 = arith.constant 0 : index
    %get3A_3 = arith.constant 0 : index
    %get3A_4 = arith.constant 0 : index
    %get3A_5 = vector.load %arg0[%get3A_2, %get3A_3, %get3A_4] : memref<2x10240x128xf32, #tpu.memory_space<vmem>>, vector<1x10000x128xf32>
    %get3A_6 = vector.shape_cast %get3A_5 : vector<1x10000x128xf32> to vector<10000x128xf32>
    %get3A_7 = arith.constant 1 : index
    %get3A_8 = arith.constant 0 : index
    %get3A_9 = arith.constant 0 : index
    %get3A_10 = vector.load %arg0[%get3A_7, %get3A_8, %get3A_9] : memref<2x10240x128xf32, #tpu.memory_space<vmem>>, vector<1x10000x128xf32>
    %get3A_11 = vector.shape_cast %get3A_10 : vector<1x10000x128xf32> to vector<10000x128xf32>
    %add3A = arith.addf %get3A_6, %get3A_11 : vector<10000x128xf32>
    %get3A_12 = arith.constant 0 : index
    %get3A_13 = arith.constant 0 : index
    %get3A_14 = vector.load %arg1[%get3A_12, %get3A_13] : memref<10000x128xf32, #tpu.memory_space<vmem>>, vector<10000x128xf32>
    %add3A_15 = arith.addf %add3A, %get3A_14 : vector<10000x128xf32>
    %mul3A = vector.broadcast %get3A_1 : vector<10000x1xf32> to vector<10000x128xf32>
    %mul3A_16 = arith.mulf %mul3A, %add3A_15 : vector<10000x128xf32>
    %get3A_17 = arith.constant 0 : index
    %get3A_18 = arith.constant 0 : index
    %get3A_19 = vector.load %arg3[%get3A_17, %get3A_18] : memref<1x128xf32, #tpu.memory_space<vmem>>, vector<1x128xf32>
    %add3A_20 = vector.broadcast %get3A_19 : vector<1x128xf32> to vector<10000x128xf32>
    %add3A_21 = arith.addf %mul3A_16, %add3A_20 : vector<10000x128xf32>
    %max3A = arith.constant 0.000000e+00 : f32
    %max3A_22 = vector.broadcast %max3A : f32 to vector<10000x128xf32>
    %max3A_23 = arith.maximumf %add3A_21, %max3A_22 : vector<10000x128xf32>
    %iota3A = tpu.iota {dimensions = array<i32: 0>} : vector<128x1xi32>
    %get3A_24 = arith.constant 0 : index
    %get3A_25 = arith.constant 0 : index
    %get3A_26 = vector.load %arg4[%get3A_24, %get3A_25] : memref<1x10000xi32, #tpu.memory_space<vmem>>, vector<1x10000xi32>
    %eq3A = vector.broadcast %get3A_26 : vector<1x10000xi32> to vector<128x10000xi32>
    %eq3A_27 = vector.broadcast %iota3A : vector<128x1xi32> to vector<128x10000xi32>
    %eq3A_28 = arith.cmpi eq, %eq3A, %eq3A_27 : vector<128x10000xi32>
    %convert_element_type3A = arith.extui %eq3A_28 : vector<128x10000xi1> to vector<128x10000xi32>
    %convert_element_type3A_29 = arith.sitofp %convert_element_type3A : vector<128x10000xi32> to vector<128x10000xf32>
    %dot_general3A = arith.constant dense<0.000000e+00> : vector<128x128xf32>
    %dot_general3A_30 = tpu.matmul %convert_element_type3A_29, %max3A_23, %dot_general3A {dimension_numbers = #tpu.dot_dimension_numbers<[1], [0], [0], [1], [0, 0, 1, 1], [], []>, transpose_lhs_hint = false} : vector<128x10000xf32>, vector<10000x128xf32>, vector<128x128xf32> -> vector<128x128xf32>
    %get3A_31 = arith.constant 0 : index
    %get3A_32 = arith.constant 0 : index
    %get3A_33 = vector.load %arg5[%get3A_31, %get3A_32] : memref<128x10xf32, #tpu.memory_space<vmem>>, vector<128x10xf32>
    %dot_general3A_34 = arith.constant dense<0.000000e+00> : vector<128x10xf32>
    %dot_general3A_35 = tpu.matmul %dot_general3A_30, %get3A_33, %dot_general3A_34 {dimension_numbers = #tpu.dot_dimension_numbers<[1], [0], [0], [1], [0, 0, 1, 1], [], []>, transpose_lhs_hint = false} : vector<128x128xf32>, vector<128x10xf32>, vector<128x10xf32> -> vector<128x10xf32>
    %get3A_36 = arith.constant 0 : index
    %get3A_37 = arith.constant 0 : index
    %get3A_38 = vector.load %arg6[%get3A_36, %get3A_37] : memref<1x10xf32, #tpu.memory_space<vmem>>, vector<1x10xf32>
    %add3A_39 = vector.broadcast %get3A_38 : vector<1x10xf32> to vector<128x10xf32>
    %add3A_40 = arith.addf %dot_general3A_35, %add3A_39 : vector<128x10xf32>
    %swap3A = arith.constant 0 : index
    %swap3A_41 = arith.constant 0 : index
    %swap3A_42 = vector.load %arg7[%swap3A, %swap3A_41] : memref<128x10xf32, #tpu.memory_space<vmem>>, vector<128x10xf32>
    tpu.vector_store %arg7[%swap3A, %swap3A_41], %add3A_40 {strides = array<i32>} : memref<128x10xf32, #tpu.memory_space<vmem>>, vector<128x10xf32>,
    return
  }
}

</mosaic_0001>

<sc_bundles>
// kernel: kernel.10.cloned.1.call-start
scs
__scs_entry_jumppad:
0x0: {  	(pc) =	sbr.rel $0x88, $3  }
0x1: {  	(tag) =	ssettag $0x0;
	lr =	simm.s32 $0x1  }
0x2: {  	[smem:$0x3F96] =	sst lr;
	_ =	strace $0xD0000000  }
0x3: {  	_ = 	snop  }
0x4: {  	_ = 	snop  }
0x5: {  	_ = 	snop  }
0x6: {  	_ = 	snop  }
0x7: {  	_ = 	snop  }
__scs_overlays_trampoline_lowered:
0x8: {  	[smem:$0x3FA5] =	sst s0  }
0x9: {  	[smem:$0x3FA6] =	sst s1  }
0xa: {  	[smem:$0x3FA7] =	sst s2  }
0xb: {  	[smem:$0x3FA8] =	sst s3  }
0xc: {  	[smem:$0x3FA9] =	sst s4  }
0xd: {  	[smem:$0x3FAA] =	sst s5  }
0xe: {  	[smem:$0x3FAB] =	sst s6  }
0xf: {  	[smem:$0x3FAC] =	sst s7  }
0x10: {  	[smem:$0x3FAD] =	sst s8  }
0x11: {  	[smem:$0x3FAE] =	sst s9;
	s0 =	simm.s32 @!p0 $0x0  }
0x12: {  	s1 =	sld [smem:$0x3F94];
	s0 =	simm.s32 @p0 $0x1  }
0x13: {  	[smem:$0x3FAF] =	sst s0;
	s0 =	simm.s32 @!p1 $0x0  }
0x14: {  	s2 =	sld [smem:$0x3F93];
	s0 =	simm.s32 @p1 $0x1  }
0x15: {  	[smem:$0x3FB0] =	sst s0;
	s0 =	simm.s32 @!p2 $0x0  }
0x16: {  	s3 =	sld [smem:$0x3FDB];
	s0 =	simm.s32 @p2 $0x1  }
0x17: {  	s4 =	simm.s32 $0x1BF5;
	[smem:$0x3FB2] =	sst s0  }
0x18: {  	s0 =	sld [smem:$0x3F95];
	_ =	swait.ge [sflag:s4], $0x0  }
0x19: {  	s7 =	sld [smem:$0x3F96]  }
0x1a: {  	s8 =	sadd.s32 $0xFFFFE003, lr  }
0x1b: {  	s9 =	sadd.s32 $0xFFFFFEF7, lr;
	s5 =	simm.s32 $0xFFFFFFFF;
	p2 =	slt.u32 s8, $0xFFFFF086  }
0x1c: {  	p1 =	slt.u32 s9, $0xF7A;
	s5 =	simm.s32 @!p2 $0x0  }
0x1d: {  	s5 =	simm.s32 @p1 $0x1;
	p0 =	seq.s32 s7, s2  }
0x1e: {  	s7 =	smul.u32 @!p0 $0xF7A, s2;
	p2 =	seq.s32 @!p0 s5, $0x0  }
0x1f: {  	s9 =	smul.u32 $0xF7A, s1;
	s8 =	simm.s32 @!p0 $0x1BF5;
	p2 =	por !p2, p0  }
0x20: {  	[sflag:s8] =	ssyncset.s32 @!p0 $0xFFFFF086;
	s6 =	sadd.s32 @!p0 s3, s7;
	s7 =	simm.s32 @!p0 $0x108  }
0x21: {  	s3 =	sadd.s32 s3, s9;
	s6 =	sadd.s32 @!p0 $0x88, s6;
	s7 =	simm.s32 @p2 $0x1082  }
0x22: {  	[simem:s7], [sflag:s8] =	dma.local @!p0 [hbm:s6], $0xF7A  }
0x23: {  	s9 =	sor.u32 $0xD0000000, s2;
	s6 =	simm.s32 $0x108;
	_ =	swait.ge @!p0 [sflag:s8], $0x0  }
0x24: {  	s3 =	sadd.s32 $0x88, s3;
	s6 =	simm.s32 @!p1 $0x1082;
	[sflag:s4] =	ssyncset.s32 $0xFFFFF086  }
0x25: {  	[simem:s6], [sflag:s4] =	dma.local [hbm:s3], $0xF7A  }
0x26: {  	[smem:$0x3F96] =	sst s1;
	(tag) =	ssettag s2;
	_ =	strace s9  }
0x27: {  	s1 =	sld [smem:$0x3FA6]  }
0x28: {  	s2 =	sld [smem:$0x3FA7]  }
0x29: {  	s4 =	sld [smem:$0x3FA9]  }
0x2a: {  	p0 =	seq.s32 s5, $0x0;
	s5 =	sld [smem:$0x3FAA]  }
0x2b: {  	s6 =	sld [smem:$0x3FAB]  }
0x2c: {  	s7 =	sld [smem:$0x3FAC]  }
0x2d: {  	s3 =	simm.s32 $0x108;
	s8 =	sld [smem:$0x3FAD]  }
0x2e: {  	s3 =	simm.s32 @!p0 $0x1082;
	s9 =	sld [smem:$0x3FAE]  }
0x2f: {  	lr =	sadd.s32 s0, s3;
	s0 =	sld [smem:$0x3FA5]  }
0x30: {  	s3 =	sld [smem:$0x3FA8]  }
0x31: {  	[smem:$0x3FB1] =	sst s10  }
0x32: {  	s10 =	sld [smem:$0x3FAF];
	_ =	sdelay $0x3  }
0x33: {  	p0 =	seq.s32 s10, $0x1;
	s10 =	sld [smem:$0x3FB1];
	_ =	sdelay $0x3  }
0x34: {  	[smem:$0x3FB1] =	sst s10  }
0x35: {  	s10 =	sld [smem:$0x3FB0];
	_ =	sdelay $0x3  }
0x36: {  	p1 =	seq.s32 s10, $0x1;
	s10 =	sld [smem:$0x3FB1];
	_ =	sdelay $0x3  }
0x37: {  	[smem:$0x3FB1] =	sst s10  }
0x38: {  	s10 =	sld [smem:$0x3FB2]  }
0x39: {  	_ = 	snop;
	(pc) =	sbr.ind lr, $3  }
0x3a: {  	_ = 	snop  }
0x3b: {  	_ = 	snop  }
0x3c: {  	p2 =	seq.s32 s10, $0x1;
	s10 =	sld [smem:$0x3FB1]  }
0x3d: {  	_ =	shalt  }
0x3e: {  	_ =	shalt  }
0x3f: {  	_ =	shalt  }
0x40: {  	_ =	shalt  }
0x41: {  	_ =	shalt  }
0x42: {  	_ =	shalt  }
0x43: {  	_ =	shalt  }
0x44: {  	_ =	shalt  }
0x45: {  	_ =	shalt  }
0x46: {  	_ =	shalt  }
0x47: {  	_ =	shalt  }
0x48: {  	_ =	shalt  }
0x49: {  	_ =	shalt  }
0x4a: {  	_ =	shalt  }
0x4b: {  	_ =	shalt  }
0x4c: {  	_ =	shalt  }
0x4d: {  	_ =	shalt  }
0x4e: {  	_ =	shalt  }
0x4f: {  	_ =	shalt  }
0x50: {  	_ =	shalt  }
0x51: {  	_ =	shalt  }
0x52: {  	_ =	shalt  }
0x53: {  	_ =	shalt  }
0x54: {  	_ =	shalt  }
0x55: {  	_ =	shalt  }
0x56: {  	_ =	shalt  }
0x57: {  	_ =	shalt  }
0x58: {  	_ =	shalt  }
0x59: {  	_ =	shalt  }
0x5a: {  	_ =	shalt  }
0x5b: {  	_ =	shalt  }
0x5c: {  	_ =	shalt  }
0x5d: {  	_ =	shalt  }
0x5e: {  	_ =	shalt  }
0x5f: {  	_ =	shalt  }
0x60: {  	_ =	shalt  }
0x61: {  	_ =	shalt  }
0x62: {  	_ =	shalt  }
0x63: {  	_ =	shalt  }
0x64: {  	_ =	shalt  }
0x65: {  	_ =	shalt  }
0x66: {  	_ =	shalt  }
0x67: {  	_ =	shalt  }
0x68: {  	_ =	shalt  }
0x69: {  	_ =	shalt  }
0x6a: {  	_ =	shalt  }
0x6b: {  	_ =	shalt  }
0x6c: {  	_ =	shalt  }
0x6d: {  	_ =	shalt  }
0x6e: {  	_ =	shalt  }
0x6f: {  	_ =	shalt  }
0x70: {  	_ =	shalt  }
0x71: {  	_ =	shalt  }
0x72: {  	_ =	shalt  }
0x73: {  	_ =	shalt  }
0x74: {  	_ =	shalt  }
0x75: {  	_ =	shalt  }
0x76: {  	_ =	shalt  }
0x77: {  	_ =	shalt  }
0x78: {  	_ =	shalt  }
0x79: {  	_ =	shalt  }
0x7a: {  	_ =	shalt  }
0x7b: {  	_ =	shalt  }
0x7c: {  	_ =	shalt  }
0x7d: {  	_ =	shalt  }
0x7e: {  	_ =	shalt  }
0x7f: {  	_ =	shalt  }
0x80: {  	_ =	shalt  }
0x81: {  	_ =	shalt  }
0x82: {  	_ =	shalt  }
0x83: {  	_ =	shalt  }
0x84: {  	_ =	shalt  }
0x85: {  	_ =	shalt  }
0x86: {  	_ =	shalt  }
0x87: {  	_ =	shalt  }
.Lfunc_end0:
.L_simem_size_0:
called_computation_lowered:
.L_overlay_start_0:
0x88: {  	s2 =	sld [smem:$0x3FD9]  }
0x89: {  	s3 =	sld [smem:$0x3FFE];
	_ =	sdelay $0x1  }
0x8a: {  	s1 =	srdreg.scid  }
0x8b: {  	s0 =	sand.u32 $0x1, s1  }
0x8c: {  	s17 =	sshll.u32 s0, $0xA;
	s2 =	sadd.s32 s3, s2  }
0x8d: {  	s2 =	sadd.s32 s2, s17  }
0x8e: {  	[smem:$0x3FBD] =	sst s2  }
0x8f: {  	_ = 	snop  }
0x90: {  	s2 =	sld [smem:$0x3FC8];
	(tm) =	ssettm $0x1  }
0x91: {  	s18 =	sld [smem:$0x3FFB];
	_ =	sdelay $0x3  }
0x92: {  	_ =	strace s18  }
0x93: {  	s3 =	sld [smem:$0x3FFC];
	_ =	sdelay $0x3  }
0x94: {  	_ =	strace s3  }
0x95: {  	s3 =	sld [smem:$0x3FFD];
	_ =	sdelay $0x3  }
0x96: {  	_ =	strace s3  }
0x97: {  	_ =	strace $0x8FFFFFFF  }
0x98: {  	s19 =	sld [smem:$0x3FDB];
	_ =	sdelay $0x1  }
0x99: {  	s4 =	simm.s32 $_scs_section_size  }
0x9a: {  	s5 =	simm.s32 $_size__tile_overlayer_lowered;
	s6 =	simm.s32 $_tile_overlayer_lowered  }
0x9b: {  	s22 =	simm.s32 $0x1BFF;
	s21 =	sshll.u32 s6, $0x1;
	s3 =	sadd.s32 s4, s19  }
0x9c: {  	s7 =	simm.s32 $0x0;
	s20 =	sshll.u32 s5, $0x1;
	s5 =	sadd.s32 s21, s3  }
0x9d: {  	[timem:s7], [sflag:s22] =	dma.local [hbm:s5], s20  }
0x9e: {  	_ =	swait.ge [sflag:s22], s20  }
0x9f: {  	s4 =	ssub.s32 $0x0, s20;
	[sflag:s22] =	ssyncset.done $0x0  }
0xa0: {  	[sflag:s22] =	ssyncadd.s32 s4;
	_ =	sdelay $0x1  }
0xa1: {  	s23 =	simm.s32 $0x1B8B  }
0xa2: {  	_ =	swait.ge [sflag:s23], $0x1  }
0xa3: {  	[sflag:s23] =	ssyncset.done $0x0  }
0xa4: {  	s25 =	simm.s32 $0x1B8E;
	s24 =	sld [smem:$0x3FFE];
	[sflag:s23] =	ssyncadd.s32 $0xFFFFFFFF  }
0xa5: {  	s26 =	simm.s32 $execute0_lowered;
	[smem:$0x3FD2] =	sst s25  }
0xa6: {  	s5 =	sshll.u32 s26, $0x1;
	_ =	strace $0x80000046;
	[dreg:$0x1] =	wrdreg $0xFFFFFFFF  }
0xa7: {  	s28 =	simm.s32 $_size_execute0_lowered;
	s3 =	sadd.s32 s3, s5;
	[dreg:$0x0] =	wrdreg $0x0  }
0xa8: {  	s5 =	sshll.u32 s28, $0x1;
	[dreg:$0x2] =	wrdreg s3  }
0xa9: {  	[dreg:$0x3] =	wrdreg s5  }
0xaa: {  	[dreg:$0x4] =	wrdreg $0xC0  }
0xab: {  	_ =	task [dreg:s7], $0x5FFFF  }
0xac: {  	[dreg:$0x1] =	wrdreg $0xFFFFFFFF  }
0xad: {  	[dreg:$0x0] =	wrdreg $0x60  }
0xae: {  	[dreg:$0x2] =	wrdreg s2  }
0xaf: {  	[dreg:$0x3] =	wrdreg s24  }
0xb0: {  	[dreg:$0x4] =	wrdreg $0x0  }
0xb1: {  	[dreg:$0x5] =	wrdreg $0x9  }
0xb2: {  	_ =	task.clear_ibuf [dreg:s7], $0x6FFFF;
	_ =	strace $0x90000046  }
0xb3: {  	s29 =	simm.s32 $0x9;
	_ =	strace $0x80000048  }
0xb4: {  	_ =	swait.ge [sflag:s29], $0x1  }
0xb5: {  	[sflag:s29] =	ssyncadd.s32 $0xFFFFFFFF  }
0xb6: {  	_ =	strace $0x90000048  }
0xb7: {  	_ =	sfence  }
0xb8: {  	s30 =	sld [smem:$0x0];
	_ =	sdelay $0x2  }
0xb9: {  	s31 =	sshll.u32 s1, $0xD;
	s1 =	sshrl.u32 s1, $0x2  }
0xba: {  	s3 =	sand.u32 $0x4000, s31;
	s1 =	sadd.s32 s1, s30  }
0xbb: {  	s0 =	sor.u32 s3, s0;
	s1 =	sshll.u32 s1, $0x11  }
0xbc: {  	s0 =	sor.u32 s1, s0  }
0xbd: {  	s0 =	sadd.s32 $0x8F2B, s0  }
0xbe: {  	[sflag:s0] =	ssyncadd.remote.s32 $0x1  }
0xbf: {  	_ =	sfence.sel $0xFFFF  }
0xc0: {  	[dreg:$0x0] =	wrdreg $0xFFFFFFFF;
	(pc) =	sbr.abs _section_cstart, $3  }
0xc1: {  	[dreg:$0x1] =	wrdreg $0xFFFFFFFF  }
0xc2: {  	_ =	task.clear_ibuf [dreg:s7], $0x2FFFF;
	_ =	strace $0x9FFFFFFF  }
0xc3: {  	(tm) =	ssettm $0x7FFFFFFF  }
tec
execute0_lowered:
.L_overlay_start_1:
0x0: {  	(tag) =	ssettag $0x1  }
0x1: {  	s8 =	rddreg [dreg:$0x0]  }
0x2: {  	s6 =	rddreg [dreg:$0x1]  }
0x3: {  	s1 =	rddreg [dreg:$0x2]  }
0x4: {  	s2 =	srdreg.scid;
	s0 =	rddreg [dreg:$0x3];
	s3 =	simm.s32 $0x0  }
0x5: {  	s14 =	simm.s32 $0x14000;
	s15 =	simm.s32 $0x80;
	s7 =	sand.u32 $0x1, s2  }
0x6: {  	s16 =	simm.s32 $0x0;
	s2 =	stileid.u32;
	s5 =	smul.u32 $0x140000, s7  }
0x7: {  	[smem:$0x7FF] =	sst s3;
	s4 =	sadd.s32 $0x5C00, s6;
	s9 =	smul.u32 $0x14000, s2  }
0x8: {  	_ =	strace $0x80000047;
	s29 =	ssub.s32 $0x2, s7;
	s12 =	smul.u32 $0x50000, s2  }
0x9: {  	s31 =	sshll.u32 s2, $0x9;
	s7 =	sshll.u32 s7, $0x8;
	s13 =	sshll.u32 s2, $0x6  }
0xa: {  	p0 =	slt.u32 s2, $0x2;
	s11 =	sshrl.u32 s29, $0x1;
	s7 =	sor.u32 s7, s31  }
0xb: {  	s5 =	sadd.s32 s9, s5;
	s9 =	ssub.s32 s29, s11;
	s30 =	sshrl.u32 s12, $0x2  }
0xc: {  	s11 =	sshrl.u32 s7, $0x3;
	s7 =	sor.u32 $0x1C01, s13;
	s13 =	simm.s32 $0x14080  }
0xd: {  	s10 =	sshrl.u32 s5, $0x3;
	s5 =	sadd.s32 $0x3400, s6;
	s12 =	sadd.s32 s30, s1  }
0xe: {  	s11 =	sadd.s32 s11, s8;
	s10 =	sadd.s32 s10, s6;
	s6 =	simm.s32 $0x4F  }
0xf: {  	s9 =	smax.u32 s9, $0x1;
	s6 =	simm.s32 @!p0 $0x4E;
	s8 =	sadd.s32 $0x6400, s10  }
0x10: {  	s10 =	sadd.s32 $0x10, s11;
	s11 =	sshrl.u32 s12, $0x3;
	s12 =	simm.s32 $0x1  }
.LBB2_1:
0x11: {  	[spmem:s11], [sflag:s7] =	dma.local [hbm:s5], $0x2800  }
0x12: {  	_ =	swait.ge [sflag:s12], $0x2800  }
0x13: {  	[sflag:s12] =	ssyncset.done $0x0  }
0x14: {  	[sflag:s12] =	ssyncadd.s32 $0xFFFFD800  }
0x15: {  	[tilespmem:s13], [sflag:$0x1] =	stream.linear.gather [hbm4b:s4+s3], $0x4000, $0x38;
	[tilespmem:$0x18080] =	vst v63  }
0x16: {  	_ =	swait.ge [sflag:s12], $0x4000  }
0x17: {  	[sflag:s12] =	ssyncset.done $0x0  }
0x18: {  	[sflag:s12] =	ssyncadd.s32 $0xFFFFC000  }
0x19: {  	[bflag:$0x0] =	sbarrier.arrive $0xFFFF  }
0x1a: {  	[tilespmem:s14], [sflag:$0x1] =	stream.linear.gather [hbm4b:s10+s3], $0x80, $0x38;
	[tilespmem:$0x18080] =	vst v63  }
0x1b: {  	p0 =	sne.s32 s6, $0x1;
	_ =	swait.ge [sflag:s12], $0x80  }
.Ltmp0:
0x1c: {  	[sflag:s12] =	ssyncset.done $0x0;
	(pc) =	sbr.rel @!p0 .LBB2_3-.Ltmp0, $4  }
0x1d: {  	[sflag:s12] =	ssyncadd.s32 $0xFFFFFF80  }
0x1e: {  	[spmem:s1] =	stream.indirect.scatter.add.f32 [tilespmem:s13], [sflag:$0x1], $0x80, s14, s15, $0xb8;
	[tilespmem:$0x18080] =	vst v63  }
0x1f: {  	_ =	swait.ge [sflag:s12], $0x4000  }
0x20: {  	s17 =	sadd.s32 $0xFFFFFFFF, s6;
	s18 =	smov.u32 s10;
	[sflag:s12] =	ssyncset.done $0x0  }
.LBB2_2:
0x21: {  	p0 =	sne.s32 s17, $0x1;
	[sflag:s12] =	ssyncadd.s32 $0xFFFFC000;
	s18 =	sadd.s32 $0x400, s18  }
0x22: {  	[tilespmem:s14], [sflag:$0x1] =	stream.linear.gather [hbm4b:s18+s3], $0x80, $0x38;
	[tilespmem:$0x18080] =	vst v63  }
0x23: {  	s17 =	sadd.s32 $0xFFFFFFFF, s17;
	_ =	swait.ge [sflag:s12], $0x80  }
.Ltmp1:
0x24: {  	[sflag:s12] =	ssyncset.done $0x0;
	(pc) =	sbr.rel @p0 .LBB2_2-.Ltmp1, $4  }
0x25: {  	[sflag:s12] =	ssyncadd.s32 $0xFFFFFF80  }
0x26: {  	[spmem:s1] =	stream.indirect.scatter.add.f32 [tilespmem:s13], [sflag:$0x1], $0x80, s14, s15, $0xb8;
	[tilespmem:$0x18080] =	vst v63  }
0x27: {  	_ =	swait.ge [sflag:s12], $0x4000  }
0x28: {  	[sflag:s12] =	ssyncset.done $0x0  }
.LBB2_3:
0x29: {  	s16 =	sadd.s32 $0x1, s16  }
0x2a: {  	[sflag:s12] =	ssyncadd.s32 $0xFFFFC000;
	p0 =	sne.s32 s16, s9  }
.Ltmp2:
0x2b: {  	[bflag:$0x0] =	sbarrier.arrive $0xFFFF;
	(pc) =	sbr.rel @p0 .LBB2_1-.Ltmp2, $4  }
0x2c: {  	[hbm:s8], [sflag:s7] =	dma.local [spmem:s11], $0x2800  }
0x2d: {  	_ =	swait.ge [sflag:s12], $0x2800  }
0x2e: {  	[sflag:s12] =	ssyncset.done $0x0  }
0x2f: {  	[sflag:s12] =	ssyncadd.s32 $0xFFFFD800  }
0x30: {  	_ =	sfence.sel $0x180000  }
0x31: {  	[bflag:$0x0] =	sbarrier.arrive $0xFFFF  }
0x32: {  	p0 =	sne.s32 s2, $0x0;
	_ =	strace $0x90000047  }
0x33: {  	s0 =	sadd.s32 @!p0 $0x100000, s0;
	[bflag:$0x2] =	sbarrier.arrive $0xFFFF  }
0x34: {  	[sflag:s0] =	ssyncadd.tile.s32 @!p0 $0x1;
	_ =	shalt  }
.Lfunc_end2:
_tile_overlayer_lowered:
.L_overlay_start_2:
0x35: {  	(tag) =	ssettag $0x2  }
0x36: {  	s0 =	rddreg [dreg:$0x0];
	s2 =	stileid.u32  }
0x37: {  	s1 =	rddreg [dreg:$0x1];
	p0 =	sne.s32 s2, $0x0  }
0x38: {  	s3 =	rddreg [dreg:$0x2];
	[bflag:$0x3] =	sbarrier.arrive $0xFFFF;
	s2 =	simm.s32 @!p0 $0x1C01  }
0x39: {  	[timem:s3], [sflag:s2] =	dma.local @!p0 [hbm:s0], s1  }
0x3a: {  	s0 =	simm.s32 @!p0 $0x1  }
0x3b: {  	_ =	swait.ge @!p0 [sflag:s0], s1  }
0x3c: {  	s1 =	ssub.s32 @!p0 $0x0, s1;
	[sflag:s0] =	ssyncset.done @!p0 $0x0  }
0x3d: {  	[sflag:s0] =	ssyncadd.s32 @!p0 s1  }
0x3e: {  	[bflag:$0x3] =	sbarrier.arrive $0xFFFF  }
0x3f: {  	_ =	shalt  }

// kernel: kernel.13.cloned.1.call-start
scs
__scs_entry_jumppad:
0x0: {  	(pc) =	sbr.rel $0x88, $3  }
0x1: {  	(tag) =	ssettag $0x0;
	lr =	simm.s32 $0x1  }
0x2: {  	[smem:$0x3F96] =	sst lr;
	_ =	strace $0xD0000000  }
0x3: {  	_ = 	snop  }
0x4: {  	_ = 	snop  }
0x5: {  	_ = 	snop  }
0x6: {  	_ = 	snop  }
0x7: {  	_ = 	snop  }
__scs_overlays_trampoline_lowered:
0x8: {  	[smem:$0x3FA5] =	sst s0  }
0x9: {  	[smem:$0x3FA6] =	sst s1  }
0xa: {  	[smem:$0x3FA7] =	sst s2  }
0xb: {  	[smem:$0x3FA8] =	sst s3  }
0xc: {  	[smem:$0x3FA9] =	sst s4  }
0xd: {  	[smem:$0x3FAA] =	sst s5  }
0xe: {  	[smem:$0x3FAB] =	sst s6  }
0xf: {  	[smem:$0x3FAC] =	sst s7  }
0x10: {  	[smem:$0x3FAD] =	sst s8  }
0x11: {  	[smem:$0x3FAE] =	sst s9;
	s0 =	simm.s32 @!p0 $0x0  }
0x12: {  	s1 =	sld [smem:$0x3F94];
	s0 =	simm.s32 @p0 $0x1  }
0x13: {  	[smem:$0x3FAF] =	sst s0;
	s0 =	simm.s32 @!p1 $0x0  }
0x14: {  	s2 =	sld [smem:$0x3F93];
	s0 =	simm.s32 @p1 $0x1  }
0x15: {  	[smem:$0x3FB0] =	sst s0;
	s0 =	simm.s32 @!p2 $0x0  }
0x16: {  	s3 =	sld [smem:$0x3FDB];
	s0 =	simm.s32 @p2 $0x1  }
0x17: {  	s4 =	simm.s32 $0x1BF5;
	[smem:$0x3FB2] =	sst s0  }
0x18: {  	s0 =	sld [smem:$0x3F95];
	_ =	swait.ge [sflag:s4], $0x0  }
0x19: {  	s7 =	sld [smem:$0x3F96]  }
0x1a: {  	s8 =	sadd.s32 $0xFFFFE003, lr  }
0x1b: {  	s9 =	sadd.s32 $0xFFFFFEF7, lr;
	s5 =	simm.s32 $0xFFFFFFFF;
	p2 =	slt.u32 s8, $0xFFFFF086  }
0x1c: {  	p1 =	slt.u32 s9, $0xF7A;
	s5 =	simm.s32 @!p2 $0x0  }
0x1d: {  	s5 =	simm.s32 @p1 $0x1;
	p0 =	seq.s32 s7, s2  }
0x1e: {  	s7 =	smul.u32 @!p0 $0xF7A, s2;
	p2 =	seq.s32 @!p0 s5, $0x0  }
0x1f: {  	s9 =	smul.u32 $0xF7A, s1;
	s8 =	simm.s32 @!p0 $0x1BF5;
	p2 =	por !p2, p0  }
0x20: {  	[sflag:s8] =	ssyncset.s32 @!p0 $0xFFFFF086;
	s6 =	sadd.s32 @!p0 s3, s7;
	s7 =	simm.s32 @!p0 $0x108  }
0x21: {  	s3 =	sadd.s32 s3, s9;
	s6 =	sadd.s32 @!p0 $0x88, s6;
	s7 =	simm.s32 @p2 $0x1082  }
0x22: {  	[simem:s7], [sflag:s8] =	dma.local @!p0 [hbm:s6], $0xF7A  }
0x23: {  	s9 =	sor.u32 $0xD0000000, s2;
	s6 =	simm.s32 $0x108;
	_ =	swait.ge @!p0 [sflag:s8], $0x0  }
0x24: {  	s3 =	sadd.s32 $0x88, s3;
	s6 =	simm.s32 @!p1 $0x1082;
	[sflag:s4] =	ssyncset.s32 $0xFFFFF086  }
0x25: {  	[simem:s6], [sflag:s4] =	dma.local [hbm:s3], $0xF7A  }
0x26: {  	[smem:$0x3F96] =	sst s1;
	(tag) =	ssettag s2;
	_ =	strace s9  }
0x27: {  	s1 =	sld [smem:$0x3FA6]  }
0x28: {  	s2 =	sld [smem:$0x3FA7]  }
0x29: {  	s4 =	sld [smem:$0x3FA9]  }
0x2a: {  	p0 =	seq.s32 s5, $0x0;
	s5 =	sld [smem:$0x3FAA]  }
0x2b: {  	s6 =	sld [smem:$0x3FAB]  }
0x2c: {  	s7 =	sld [smem:$0x3FAC]  }
0x2d: {  	s3 =	simm.s32 $0x108;
	s8 =	sld [smem:$0x3FAD]  }
0x2e: {  	s3 =	simm.s32 @!p0 $0x1082;
	s9 =	sld [smem:$0x3FAE]  }
0x2f: {  	lr =	sadd.s32 s0, s3;
	s0 =	sld [smem:$0x3FA5]  }
0x30: {  	s3 =	sld [smem:$0x3FA8]  }
0x31: {  	[smem:$0x3FB1] =	sst s10  }
0x32: {  	s10 =	sld [smem:$0x3FAF];
	_ =	sdelay $0x3  }
0x33: {  	p0 =	seq.s32 s10, $0x1;
	s10 =	sld [smem:$0x3FB1];
	_ =	sdelay $0x3  }
0x34: {  	[smem:$0x3FB1] =	sst s10  }
0x35: {  	s10 =	sld [smem:$0x3FB0];
	_ =	sdelay $0x3  }
0x36: {  	p1 =	seq.s32 s10, $0x1;
	s10 =	sld [smem:$0x3FB1];
	_ =	sdelay $0x3  }
0x37: {  	[smem:$0x3FB1] =	sst s10  }
0x38: {  	s10 =	sld [smem:$0x3FB2]  }
0x39: {  	_ = 	snop;
	(pc) =	sbr.ind lr, $3  }
0x3a: {  	_ = 	snop  }
0x3b: {  	_ = 	snop  }
0x3c: {  	p2 =	seq.s32 s10, $0x1;
	s10 =	sld [smem:$0x3FB1]  }
0x3d: {  	_ =	shalt  }
0x3e: {  	_ =	shalt  }
0x3f: {  	_ =	shalt  }
0x40: {  	_ =	shalt  }
0x41: {  	_ =	shalt  }
0x42: {  	_ =	shalt  }
0x43: {  	_ =	shalt  }
0x44: {  	_ =	shalt  }
0x45: {  	_ =	shalt  }
0x46: {  	_ =	shalt  }
0x47: {  	_ =	shalt  }
0x48: {  	_ =	shalt  }
0x49: {  	_ =	shalt  }
0x4a: {  	_ =	shalt  }
0x4b: {  	_ =	shalt  }
0x4c: {  	_ =	shalt  }
0x4d: {  	_ =	shalt  }
0x4e: {  	_ =	shalt  }
0x4f: {  	_ =	shalt  }
0x50: {  	_ =	shalt  }
0x51: {  	_ =	shalt  }
0x52: {  	_ =	shalt  }
0x53: {  	_ =	shalt  }
0x54: {  	_ =	shalt  }
0x55: {  	_ =	shalt  }
0x56: {  	_ =	shalt  }
0x57: {  	_ =	shalt  }
0x58: {  	_ =	shalt  }
0x59: {  	_ =	shalt  }
0x5a: {  	_ =	shalt  }
0x5b: {  	_ =	shalt  }
0x5c: {  	_ =	shalt  }
0x5d: {  	_ =	shalt  }
0x5e: {  	_ =	shalt  }
0x5f: {  	_ =	shalt  }
0x60: {  	_ =	shalt  }
0x61: {  	_ =	shalt  }
0x62: {  	_ =	shalt  }
0x63: {  	_ =	shalt  }
0x64: {  	_ =	shalt  }
0x65: {  	_ =	shalt  }
0x66: {  	_ =	shalt  }
0x67: {  	_ =	shalt  }
0x68: {  	_ =	shalt  }
0x69: {  	_ =	shalt  }
0x6a: {  	_ =	shalt  }
0x6b: {  	_ =	shalt  }
0x6c: {  	_ =	shalt  }
0x6d: {  	_ =	shalt  }
0x6e: {  	_ =	shalt  }
0x6f: {  	_ =	shalt  }
0x70: {  	_ =	shalt  }
0x71: {  	_ =	shalt  }
0x72: {  	_ =	shalt  }
0x73: {  	_ =	shalt  }
0x74: {  	_ =	shalt  }
0x75: {  	_ =	shalt  }
0x76: {  	_ =	shalt  }
0x77: {  	_ =	shalt  }
0x78: {  	_ =	shalt  }
0x79: {  	_ =	shalt  }
0x7a: {  	_ =	shalt  }
0x7b: {  	_ =	shalt  }
0x7c: {  	_ =	shalt  }
0x7d: {  	_ =	shalt  }
0x7e: {  	_ =	shalt  }
0x7f: {  	_ =	shalt  }
0x80: {  	_ =	shalt  }
0x81: {  	_ =	shalt  }
0x82: {  	_ =	shalt  }
0x83: {  	_ =	shalt  }
0x84: {  	_ =	shalt  }
0x85: {  	_ =	shalt  }
0x86: {  	_ =	shalt  }
0x87: {  	_ =	shalt  }
.Lfunc_end0:
.L_simem_size_0:
called_computation.1_lowered:
.L_overlay_start_0:
0x88: {  	s2 =	sld [smem:$0x3FD9]  }
0x89: {  	s3 =	sld [smem:$0x3FFE];
	_ =	sdelay $0x1  }
0x8a: {  	s1 =	srdreg.scid  }
0x8b: {  	s0 =	sand.u32 $0x1, s1  }
0x8c: {  	s17 =	sshll.u32 s0, $0xA;
	s2 =	sadd.s32 s3, s2  }
0x8d: {  	s2 =	sadd.s32 s2, s17  }
0x8e: {  	[smem:$0x3FBD] =	sst s2  }
0x8f: {  	_ = 	snop  }
0x90: {  	s2 =	sld [smem:$0x3FC8];
	(tm) =	ssettm $0x1  }
0x91: {  	s18 =	sld [smem:$0x3FFB];
	_ =	sdelay $0x3  }
0x92: {  	_ =	strace s18  }
0x93: {  	s3 =	sld [smem:$0x3FFC];
	_ =	sdelay $0x3  }
0x94: {  	_ =	strace s3  }
0x95: {  	s3 =	sld [smem:$0x3FFD];
	_ =	sdelay $0x3  }
0x96: {  	_ =	strace s3  }
0x97: {  	_ =	strace $0x8FFFFFFF  }
0x98: {  	s19 =	sld [smem:$0x3FDB];
	_ =	sdelay $0x1  }
0x99: {  	s4 =	simm.s32 $_scs_section_size  }
0x9a: {  	s5 =	simm.s32 $_size__tile_overlayer_lowered;
	s6 =	simm.s32 $_tile_overlayer_lowered  }
0x9b: {  	s22 =	simm.s32 $0x1BFF;
	s21 =	sshll.u32 s6, $0x1;
	s3 =	sadd.s32 s4, s19  }
0x9c: {  	s7 =	simm.s32 $0x0;
	s20 =	sshll.u32 s5, $0x1;
	s5 =	sadd.s32 s21, s3  }
0x9d: {  	[timem:s7], [sflag:s22] =	dma.local [hbm:s5], s20  }
0x9e: {  	_ =	swait.ge [sflag:s22], s20  }
0x9f: {  	s4 =	ssub.s32 $0x0, s20;
	[sflag:s22] =	ssyncset.done $0x0  }
0xa0: {  	[sflag:s22] =	ssyncadd.s32 s4;
	_ =	sdelay $0x1  }
0xa1: {  	s23 =	simm.s32 $0x1B8B  }
0xa2: {  	_ =	swait.ge [sflag:s23], $0x1  }
0xa3: {  	[sflag:s23] =	ssyncset.done $0x0  }
0xa4: {  	s25 =	simm.s32 $0x1B8E;
	s24 =	sld [smem:$0x3FFE];
	[sflag:s23] =	ssyncadd.s32 $0xFFFFFFFF  }
0xa5: {  	s26 =	simm.s32 $execute0_lowered;
	[smem:$0x3FD2] =	sst s25  }
0xa6: {  	s5 =	sshll.u32 s26, $0x1;
	_ =	strace $0x80000049;
	[dreg:$0x1] =	wrdreg $0xFFFFFFFF  }
0xa7: {  	s28 =	simm.s32 $_size_execute0_lowered;
	s3 =	sadd.s32 s3, s5;
	[dreg:$0x0] =	wrdreg $0x0  }
0xa8: {  	s5 =	sshll.u32 s28, $0x1;
	[dreg:$0x2] =	wrdreg s3  }
0xa9: {  	[dreg:$0x3] =	wrdreg s5  }
0xaa: {  	[dreg:$0x4] =	wrdreg $0xC0  }
0xab: {  	_ =	task [dreg:s7], $0x5FFFF  }
0xac: {  	[dreg:$0x1] =	wrdreg $0xFFFFFFFF  }
0xad: {  	[dreg:$0x0] =	wrdreg $0x60  }
0xae: {  	[dreg:$0x2] =	wrdreg s24  }
0xaf: {  	[dreg:$0x3] =	wrdreg s2  }
0xb0: {  	[dreg:$0x4] =	wrdreg $0x0  }
0xb1: {  	[dreg:$0x5] =	wrdreg $0x9  }
0xb2: {  	_ =	task.clear_ibuf [dreg:s7], $0x6FFFF;
	_ =	strace $0x90000049  }
0xb3: {  	s29 =	simm.s32 $0x9;
	_ =	strace $0x8000004B  }
0xb4: {  	_ =	swait.ge [sflag:s29], $0x1  }
0xb5: {  	[sflag:s29] =	ssyncadd.s32 $0xFFFFFFFF  }
0xb6: {  	_ =	strace $0x9000004B  }
0xb7: {  	_ =	sfence  }
0xb8: {  	s30 =	sld [smem:$0x0];
	_ =	sdelay $0x2  }
0xb9: {  	s31 =	sshll.u32 s1, $0xD;
	s1 =	sshrl.u32 s1, $0x2  }
0xba: {  	s3 =	sand.u32 $0x4000, s31;
	s1 =	sadd.s32 s1, s30  }
0xbb: {  	s0 =	sor.u32 s3, s0;
	s1 =	sshll.u32 s1, $0x11  }
0xbc: {  	s0 =	sor.u32 s1, s0  }
0xbd: {  	s0 =	sadd.s32 $0x8F2B, s0  }
0xbe: {  	[sflag:s0] =	ssyncadd.remote.s32 $0x1  }
0xbf: {  	_ =	sfence.sel $0xFFFF  }
0xc0: {  	[dreg:$0x0] =	wrdreg $0xFFFFFFFF;
	(pc) =	sbr.abs _section_cstart, $3  }
0xc1: {  	[dreg:$0x1] =	wrdreg $0xFFFFFFFF  }
0xc2: {  	_ =	task.clear_ibuf [dreg:s7], $0x2FFFF;
	_ =	strace $0x9FFFFFFF  }
0xc3: {  	(tm) =	ssettm $0x7FFFFFFF  }
tec
execute0_lowered:
.L_overlay_start_1:
0x0: {  	(tag) =	ssettag $0x1  }
0x1: {  	s6 =	rddreg [dreg:$0x0]  }
0x2: {  	s10 =	rddreg [dreg:$0x1]  }
0x3: {  	s1 =	rddreg [dreg:$0x2]  }
0x4: {  	s2 =	srdreg.scid;
	s0 =	rddreg [dreg:$0x3]  }
0x5: {  	s3 =	simm.s32 $0x0;
	s14 =	simm.s32 $0x14080;
	s15 =	simm.s32 $0x80  }
0x6: {  	s16 =	simm.s32 $0x14100;
	s17 =	simm.s32 $0x1;
	s7 =	sand.u32 $0x1, s2  }
0x7: {  	s18 =	simm.s32 $0x0;
	s2 =	stileid.u32;
	s8 =	smul.u32 $0x140000, s7  }
0x8: {  	[smem:$0x7FF] =	sst s3;
	s4 =	sadd.s32 $0x5C00, s6;
	s9 =	smul.u32 $0x14000, s2  }
0x9: {  	s5 =	sadd.s32 $0x3400, s6;
	_ =	strace $0x8000004A;
	s11 =	smul.u32 $0x50000, s2  }
0xa: {  	s29 =	ssub.s32 $0x2, s7;
	s30 =	sshll.u32 s2, $0x6;
	s13 =	sshll.u32 s2, $0x9  }
0xb: {  	s7 =	sshll.u32 s7, $0x8;
	p0 =	slt.u32 s2, $0x2;
	s12 =	sshrl.u32 s29, $0x1  }
0xc: {  	s13 =	sor.u32 s7, s13;
	s7 =	sor.u32 $0x1C02, s30;
	s8 =	sadd.s32 s9, s8  }
0xd: {  	s11 =	sshrl.u32 s11, $0x2;
	s9 =	ssub.s32 s29, s12;
	s31 =	sshrl.u32 s13, $0x3  }
0xe: {  	s12 =	simm.s32 $0x2;
	s13 =	simm.s32 $0x14000;
	s8 =	sshrl.u32 s8, $0x3  }
0xf: {  	s11 =	sadd.s32 s11, s1;
	s9 =	smax.u32 s9, $0x1;
	s10 =	sadd.s32 s31, s10  }
0x10: {  	s8 =	sadd.s32 s8, s6;
	s6 =	simm.s32 $0x4F;
	s10 =	sadd.s32 $0x10, s10  }
0x11: {  	s11 =	sshrl.u32 s11, $0x3;
	s6 =	simm.s32 @!p0 $0x4E;
	s8 =	sadd.s32 $0x2CE00, s8  }
.LBB2_1:
0x12: {  	[spmem:s11], [sflag:s7] =	dma.local [hbm:s5], $0x2800  }
0x13: {  	p1 =	sne.s32 s6, $0x1  }
.Ltmp0:
0x14: {  	_ =	swait.ge [sflag:s12], $0x2800;
	(pc) =	sbr.rel @!p1 .LBB2_4-.Ltmp0, $4  }
0x15: {  	[sflag:s12] =	ssyncset.done $0x0  }
0x16: {  	[sflag:s12] =	ssyncadd.s32 $0xFFFFD800  }
0x17: {  	[bflag:$0x0] =	sbarrier.arrive $0xFFFF  }
0x18: {  	s20 =	sadd.s32 $0xFFFFFFFF, s6;
	p0 =	por $0x0, $0x0;
	s19 =	smov.u32 s10  }
0x19: {  	s19 =	sadd.s32 $0xFFFFFFF0, s10  }
0x1a: {  	[tilespmem:s13], [sflag:$0x2] =	stream.linear.gather [hbm4b:s19+s3], $0x80, $0x38;
	[tilespmem:$0x18100] =	vst v63  }
0x1b: {  	_ =	swait.ge [sflag:s12], $0x80  }
0x1c: {  	[sflag:s12] =	ssyncset.done $0x0  }
0x1d: {  	[sflag:s12] =	ssyncadd.s32 $0xFFFFFF80  }
0x1e: {  	[tilespmem:s14], [sflag:$0x2] =	stream.linear.gather [hbm4b:s10+s3], $0x80, $0x38;
	[tilespmem:$0x18100] =	vst v63  }
0x1f: {  	_ =	swait.ge [sflag:s12], $0x80  }
0x20: {  	[sflag:s12] =	ssyncset.done $0x0  }
0x21: {  	[sflag:s12] =	ssyncadd.s32 $0xFFFFFF80  }
0x22: {  	[tilespmem:s16], [sflag:$0x1] =	stream.indirect.gather [hbm4b:s4+s15], $0x80, s13, s15, $0xb8;
	[tilespmem:$0x18100] =	vst v63  }
0x23: {  	p1 =	sne.s32 s20, $0x1;
	_ =	swait.ge [sflag:s17], $0x4000  }
.Ltmp1:
0x24: {  	[sflag:s17] =	ssyncset.done $0x0;
	(pc) =	sbr.rel @!p1 .LBB2_4-.Ltmp1, $4  }
0x25: {  	[sflag:s17] =	ssyncadd.s32 $0xFFFFC000  }
0x26: {  	[spmem:s1] =	stream.indirect.scatter.add.f32 [tilespmem:s16], [sflag:$0x2], $0x80, s14, s15, $0xb8;
	[tilespmem:$0x18100] =	vst v63  }
0x27: {  	s20 =	sadd.s32 $0xFFFFFFFF, s20;
	_ =	swait.ge [sflag:s12], $0x4000  }
0x28: {  	p0 =	por $0x1, $0x1;
	s19 =	sadd.s32 $0x400, s10;
	[sflag:s12] =	ssyncset.done $0x0  }
.LBB2_3:
0x29: {  	p1 =	sne.s32 s20, $0x1;
	s21 =	sadd.s32 $0xFFFFFFF0, s19;
	[sflag:s12] =	ssyncadd.s32 $0xFFFFC000  }
0x2a: {  	[tilespmem:s13], [sflag:$0x2] =	stream.linear.gather [hbm4b:s21+s3], $0x80, $0x38;
	[tilespmem:$0x18100] =	vst v63  }
0x2b: {  	s20 =	sadd.s32 $0xFFFFFFFF, s20;
	_ =	swait.ge [sflag:s12], $0x80  }
0x2c: {  	[sflag:s12] =	ssyncset.done $0x0  }
0x2d: {  	[sflag:s12] =	ssyncadd.s32 $0xFFFFFF80  }
0x2e: {  	[tilespmem:s14], [sflag:$0x2] =	stream.linear.gather [hbm4b:s19+s3], $0x80, $0x38;
	[tilespmem:$0x18100] =	vst v63  }
0x2f: {  	_ =	swait.ge [sflag:s12], $0x80  }
0x30: {  	[sflag:s12] =	ssyncset.done $0x0  }
0x31: {  	[sflag:s12] =	ssyncadd.s32 $0xFFFFFF80  }
0x32: {  	[tilespmem:s16], [sflag:$0x1] =	stream.indirect.gather [hbm4b:s4+s15], $0x80, s13, s15, $0xb8;
	[tilespmem:$0x18100] =	vst v63  }
0x33: {  	_ =	swait.ge [sflag:s17], $0x4000  }
.Ltmp2:
0x34: {  	[sflag:s17] =	ssyncset.done $0x0;
	(pc) =	sbr.rel @p1 .LBB2_3-.Ltmp2, $4  }
0x35: {  	[sflag:s17] =	ssyncadd.s32 $0xFFFFC000  }
0x36: {  	[spmem:s1] =	stream.indirect.scatter.add.f32 [tilespmem:s16], [sflag:$0x2], $0x80, s14, s15, $0xb8;
	[tilespmem:$0x18100] =	vst v63  }
0x37: {  	_ =	swait.ge [sflag:s12], $0x4000  }
0x38: {  	s19 =	sadd.s32 $0x400, s19;
	[sflag:s12] =	ssyncset.done $0x0  }
.LBB2_4:
0x39: {  	s20 =	sadd.s32 $0xFFFFFFF0, s19;
	[sflag:s12] =	ssyncadd.s32 @p0 $0xFFFFC000  }
0x3a: {  	[tilespmem:s13], [sflag:$0x2] =	stream.linear.gather [hbm4b:s20+s3], $0x80, $0x38;
	[tilespmem:$0x18100] =	vst v63  }
0x3b: {  	_ =	swait.ge [sflag:s12], $0x80  }
0x3c: {  	[sflag:s12] =	ssyncset.done $0x0  }
0x3d: {  	[sflag:s12] =	ssyncadd.s32 $0xFFFFFF80  }
0x3e: {  	[tilespmem:s14], [sflag:$0x2] =	stream.linear.gather [hbm4b:s19+s3], $0x80, $0x38;
	[tilespmem:$0x18100] =	vst v63  }
0x3f: {  	_ =	swait.ge [sflag:s12], $0x80  }
0x40: {  	[sflag:s12] =	ssyncset.done $0x0  }
0x41: {  	[sflag:s12] =	ssyncadd.s32 $0xFFFFFF80  }
0x42: {  	[tilespmem:s16], [sflag:$0x1] =	stream.indirect.gather [hbm4b:s4+s15], $0x80, s13, s15, $0xb8;
	[tilespmem:$0x18100] =	vst v63  }
0x43: {  	_ =	swait.ge [sflag:s17], $0x4000  }
0x44: {  	[sflag:s17] =	ssyncset.done $0x0  }
0x45: {  	[sflag:s17] =	ssyncadd.s32 $0xFFFFC000  }
0x46: {  	[spmem:s1] =	stream.indirect.scatter.add.f32 [tilespmem:s16], [sflag:$0x2], $0x80, s14, s15, $0xb8;
	[tilespmem:$0x18100] =	vst v63  }
0x47: {  	_ =	swait.ge [sflag:s12], $0x4000  }
0x48: {  	s18 =	sadd.s32 $0x1, s18;
	[sflag:s12] =	ssyncset.done $0x0  }
0x49: {  	p0 =	sne.s32 s18, s9;
	[sflag:s12] =	ssyncadd.s32 $0xFFFFC000  }
.Ltmp3:
0x4a: {  	[bflag:$0x0] =	sbarrier.arrive $0xFFFF;
	(pc) =	sbr.rel @p0 .LBB2_1-.Ltmp3, $4  }
0x4b: {  	[hbm:s8], [sflag:s7] =	dma.local [spmem:s11], $0x2800  }
0x4c: {  	_ =	swait.ge [sflag:s12], $0x2800  }
0x4d: {  	[sflag:s12] =	ssyncset.done $0x0  }
0x4e: {  	[sflag:s12] =	ssyncadd.s32 $0xFFFFD800  }
0x4f: {  	_ =	sfence.sel $0x180000  }
0x50: {  	[bflag:$0x0] =	sbarrier.arrive $0xFFFF  }
0x51: {  	p0 =	sne.s32 s2, $0x0;
	_ =	strace $0x9000004A  }
0x52: {  	s0 =	sadd.s32 @!p0 $0x100000, s0;
	[bflag:$0x2] =	sbarrier.arrive $0xFFFF  }
0x53: {  	[sflag:s0] =	ssyncadd.tile.s32 @!p0 $0x1;
	_ =	shalt  }
.Lfunc_end2:
_tile_overlayer_lowered:
.L_overlay_start_2:
0x54: {  	(tag) =	ssettag $0x2  }
0x55: {  	s0 =	rddreg [dreg:$0x0];
	s2 =	stileid.u32  }
0x56: {  	s1 =	rddreg [dreg:$0x1];
	p0 =	sne.s32 s2, $0x0  }
0x57: {  	s3 =	rddreg [dreg:$0x2];
	[bflag:$0x3] =	sbarrier.arrive $0xFFFF;
	s2 =	simm.s32 @!p0 $0x1C02  }
0x58: {  	[timem:s3], [sflag:s2] =	dma.local @!p0 [hbm:s0], s1  }
0x59: {  	s0 =	simm.s32 @!p0 $0x2  }
0x5a: {  	_ =	swait.ge @!p0 [sflag:s0], s1  }
0x5b: {  	s1 =	ssub.s32 @!p0 $0x0, s1;
	[sflag:s0] =	ssyncset.done @!p0 $0x0  }
0x5c: {  	[sflag:s0] =	ssyncadd.s32 @!p0 s1  }
0x5d: {  	[bflag:$0x3] =	sbarrier.arrive $0xFFFF  }
0x5e: {  	_ =	shalt  }

// kernel: kernel.16.cloned.1.call-start
scs
__scs_entry_jumppad:
0x0: {  	(pc) =	sbr.rel $0x88, $3  }
0x1: {  	(tag) =	ssettag $0x0;
	lr =	simm.s32 $0x1  }
0x2: {  	[smem:$0x3F96] =	sst lr;
	_ =	strace $0xD0000000  }
0x3: {  	_ = 	snop  }
0x4: {  	_ = 	snop  }
0x5: {  	_ = 	snop  }
0x6: {  	_ = 	snop  }
0x7: {  	_ = 	snop  }
__scs_overlays_trampoline_lowered:
0x8: {  	[smem:$0x3FA5] =	sst s0  }
0x9: {  	[smem:$0x3FA6] =	sst s1  }
0xa: {  	[smem:$0x3FA7] =	sst s2  }
0xb: {  	[smem:$0x3FA8] =	sst s3  }
0xc: {  	[smem:$0x3FA9] =	sst s4  }
0xd: {  	[smem:$0x3FAA] =	sst s5  }
0xe: {  	[smem:$0x3FAB] =	sst s6  }
0xf: {  	[smem:$0x3FAC] =	sst s7  }
0x10: {  	[smem:$0x3FAD] =	sst s8  }
0x11: {  	[smem:$0x3FAE] =	sst s9;
	s0 =	simm.s32 @!p0 $0x0  }
0x12: {  	s1 =	sld [smem:$0x3F94];
	s0 =	simm.s32 @p0 $0x1  }
0x13: {  	[smem:$0x3FAF] =	sst s0;
	s0 =	simm.s32 @!p1 $0x0  }
0x14: {  	s2 =	sld [smem:$0x3F93];
	s0 =	simm.s32 @p1 $0x1  }
0x15: {  	[smem:$0x3FB0] =	sst s0;
	s0 =	simm.s32 @!p2 $0x0  }
0x16: {  	s3 =	sld [smem:$0x3FDB];
	s0 =	simm.s32 @p2 $0x1  }
0x17: {  	s4 =	simm.s32 $0x1BF5;
	[smem:$0x3FB2] =	sst s0  }
0x18: {  	s0 =	sld [smem:$0x3F95];
	_ =	swait.ge [sflag:s4], $0x0  }
0x19: {  	s7 =	sld [smem:$0x3F96]  }
0x1a: {  	s8 =	sadd.s32 $0xFFFFE003, lr  }
0x1b: {  	s9 =	sadd.s32 $0xFFFFFEF7, lr;
	s5 =	simm.s32 $0xFFFFFFFF;
	p2 =	slt.u32 s8, $0xFFFFF086  }
0x1c: {  	p1 =	slt.u32 s9, $0xF7A;
	s5 =	simm.s32 @!p2 $0x0  }
0x1d: {  	s5 =	simm.s32 @p1 $0x1;
	p0 =	seq.s32 s7, s2  }
0x1e: {  	s7 =	smul.u32 @!p0 $0xF7A, s2;
	p2 =	seq.s32 @!p0 s5, $0x0  }
0x1f: {  	s9 =	smul.u32 $0xF7A, s1;
	s8 =	simm.s32 @!p0 $0x1BF5;
	p2 =	por !p2, p0  }
0x20: {  	[sflag:s8] =	ssyncset.s32 @!p0 $0xFFFFF086;
	s6 =	sadd.s32 @!p0 s3, s7;
	s7 =	simm.s32 @!p0 $0x108  }
0x21: {  	s3 =	sadd.s32 s3, s9;
	s6 =	sadd.s32 @!p0 $0x88, s6;
	s7 =	simm.s32 @p2 $0x1082  }
0x22: {  	[simem:s7], [sflag:s8] =	dma.local @!p0 [hbm:s6], $0xF7A  }
0x23: {  	s9 =	sor.u32 $0xD0000000, s2;
	s6 =	simm.s32 $0x108;
	_ =	swait.ge @!p0 [sflag:s8], $0x0  }
0x24: {  	s3 =	sadd.s32 $0x88, s3;
	s6 =	simm.s32 @!p1 $0x1082;
	[sflag:s4] =	ssyncset.s32 $0xFFFFF086  }
0x25: {  	[simem:s6], [sflag:s4] =	dma.local [hbm:s3], $0xF7A  }
0x26: {  	[smem:$0x3F96] =	sst s1;
	(tag) =	ssettag s2;
	_ =	strace s9  }
0x27: {  	s1 =	sld [smem:$0x3FA6]  }
0x28: {  	s2 =	sld [smem:$0x3FA7]  }
0x29: {  	s4 =	sld [smem:$0x3FA9]  }
0x2a: {  	p0 =	seq.s32 s5, $0x0;
	s5 =	sld [smem:$0x3FAA]  }
0x2b: {  	s6 =	sld [smem:$0x3FAB]  }
0x2c: {  	s7 =	sld [smem:$0x3FAC]  }
0x2d: {  	s3 =	simm.s32 $0x108;
	s8 =	sld [smem:$0x3FAD]  }
0x2e: {  	s3 =	simm.s32 @!p0 $0x1082;
	s9 =	sld [smem:$0x3FAE]  }
0x2f: {  	lr =	sadd.s32 s0, s3;
	s0 =	sld [smem:$0x3FA5]  }
0x30: {  	s3 =	sld [smem:$0x3FA8]  }
0x31: {  	[smem:$0x3FB1] =	sst s10  }
0x32: {  	s10 =	sld [smem:$0x3FAF];
	_ =	sdelay $0x3  }
0x33: {  	p0 =	seq.s32 s10, $0x1;
	s10 =	sld [smem:$0x3FB1];
	_ =	sdelay $0x3  }
0x34: {  	[smem:$0x3FB1] =	sst s10  }
0x35: {  	s10 =	sld [smem:$0x3FB0];
	_ =	sdelay $0x3  }
0x36: {  	p1 =	seq.s32 s10, $0x1;
	s10 =	sld [smem:$0x3FB1];
	_ =	sdelay $0x3  }
0x37: {  	[smem:$0x3FB1] =	sst s10  }
0x38: {  	s10 =	sld [smem:$0x3FB2]  }
0x39: {  	_ = 	snop;
	(pc) =	sbr.ind lr, $3  }
0x3a: {  	_ = 	snop  }
0x3b: {  	_ = 	snop  }
0x3c: {  	p2 =	seq.s32 s10, $0x1;
	s10 =	sld [smem:$0x3FB1]  }
0x3d: {  	_ =	shalt  }
0x3e: {  	_ =	shalt  }
0x3f: {  	_ =	shalt  }
0x40: {  	_ =	shalt  }
0x41: {  	_ =	shalt  }
0x42: {  	_ =	shalt  }
0x43: {  	_ =	shalt  }
0x44: {  	_ =	shalt  }
0x45: {  	_ =	shalt  }
0x46: {  	_ =	shalt  }
0x47: {  	_ =	shalt  }
0x48: {  	_ =	shalt  }
0x49: {  	_ =	shalt  }
0x4a: {  	_ =	shalt  }
0x4b: {  	_ =	shalt  }
0x4c: {  	_ =	shalt  }
0x4d: {  	_ =	shalt  }
0x4e: {  	_ =	shalt  }
0x4f: {  	_ =	shalt  }
0x50: {  	_ =	shalt  }
0x51: {  	_ =	shalt  }
0x52: {  	_ =	shalt  }
0x53: {  	_ =	shalt  }
0x54: {  	_ =	shalt  }
0x55: {  	_ =	shalt  }
0x56: {  	_ =	shalt  }
0x57: {  	_ =	shalt  }
0x58: {  	_ =	shalt  }
0x59: {  	_ =	shalt  }
0x5a: {  	_ =	shalt  }
0x5b: {  	_ =	shalt  }
0x5c: {  	_ =	shalt  }
0x5d: {  	_ =	shalt  }
0x5e: {  	_ =	shalt  }
0x5f: {  	_ =	shalt  }
0x60: {  	_ =	shalt  }
0x61: {  	_ =	shalt  }
0x62: {  	_ =	shalt  }
0x63: {  	_ =	shalt  }
0x64: {  	_ =	shalt  }
0x65: {  	_ =	shalt  }
0x66: {  	_ =	shalt  }
0x67: {  	_ =	shalt  }
0x68: {  	_ =	shalt  }
0x69: {  	_ =	shalt  }
0x6a: {  	_ =	shalt  }
0x6b: {  	_ =	shalt  }
0x6c: {  	_ =	shalt  }
0x6d: {  	_ =	shalt  }
0x6e: {  	_ =	shalt  }
0x6f: {  	_ =	shalt  }
0x70: {  	_ =	shalt  }
0x71: {  	_ =	shalt  }
0x72: {  	_ =	shalt  }
0x73: {  	_ =	shalt  }
0x74: {  	_ =	shalt  }
0x75: {  	_ =	shalt  }
0x76: {  	_ =	shalt  }
0x77: {  	_ =	shalt  }
0x78: {  	_ =	shalt  }
0x79: {  	_ =	shalt  }
0x7a: {  	_ =	shalt  }
0x7b: {  	_ =	shalt  }
0x7c: {  	_ =	shalt  }
0x7d: {  	_ =	shalt  }
0x7e: {  	_ =	shalt  }
0x7f: {  	_ =	shalt  }
0x80: {  	_ =	shalt  }
0x81: {  	_ =	shalt  }
0x82: {  	_ =	shalt  }
0x83: {  	_ =	shalt  }
0x84: {  	_ =	shalt  }
0x85: {  	_ =	shalt  }
0x86: {  	_ =	shalt  }
0x87: {  	_ =	shalt  }
.Lfunc_end0:
.L_simem_size_0:
called_computation.2_lowered:
.L_overlay_start_0:
0x88: {  	s2 =	sld [smem:$0x3FD9]  }
0x89: {  	s3 =	sld [smem:$0x3FFE];
	_ =	sdelay $0x1  }
0x8a: {  	s1 =	srdreg.scid  }
0x8b: {  	s0 =	sand.u32 $0x1, s1  }
0x8c: {  	s17 =	sshll.u32 s0, $0xA;
	s2 =	sadd.s32 s3, s2  }
0x8d: {  	s2 =	sadd.s32 s2, s17  }
0x8e: {  	[smem:$0x3FBD] =	sst s2  }
0x8f: {  	_ = 	snop  }
0x90: {  	s2 =	sld [smem:$0x3FC8];
	(tm) =	ssettm $0x1  }
0x91: {  	s18 =	sld [smem:$0x3FFB];
	_ =	sdelay $0x3  }
0x92: {  	_ =	strace s18  }
0x93: {  	s3 =	sld [smem:$0x3FFC];
	_ =	sdelay $0x3  }
0x94: {  	_ =	strace s3  }
0x95: {  	s3 =	sld [smem:$0x3FFD];
	_ =	sdelay $0x3  }
0x96: {  	_ =	strace s3  }
0x97: {  	_ =	strace $0x8FFFFFFF  }
0x98: {  	s19 =	sld [smem:$0x3FDB];
	_ =	sdelay $0x1  }
0x99: {  	s4 =	simm.s32 $_scs_section_size  }
0x9a: {  	s5 =	simm.s32 $_size__tile_overlayer_lowered;
	s6 =	simm.s32 $_tile_overlayer_lowered  }
0x9b: {  	s22 =	simm.s32 $0x1BFF;
	s21 =	sshll.u32 s6, $0x1;
	s3 =	sadd.s32 s4, s19  }
0x9c: {  	s7 =	simm.s32 $0x0;
	s20 =	sshll.u32 s5, $0x1;
	s5 =	sadd.s32 s21, s3  }
0x9d: {  	[timem:s7], [sflag:s22] =	dma.local [hbm:s5], s20  }
0x9e: {  	_ =	swait.ge [sflag:s22], s20  }
0x9f: {  	s4 =	ssub.s32 $0x0, s20;
	[sflag:s22] =	ssyncset.done $0x0  }
0xa0: {  	[sflag:s22] =	ssyncadd.s32 s4;
	_ =	sdelay $0x1  }
0xa1: {  	s23 =	simm.s32 $0x1B8B  }
0xa2: {  	_ =	swait.ge [sflag:s23], $0x1  }
0xa3: {  	[sflag:s23] =	ssyncset.done $0x0  }
0xa4: {  	s25 =	simm.s32 $0x1B8E;
	s24 =	sld [smem:$0x3FFE];
	[sflag:s23] =	ssyncadd.s32 $0xFFFFFFFF  }
0xa5: {  	s26 =	simm.s32 $execute0_lowered;
	[smem:$0x3FD2] =	sst s25  }
0xa6: {  	s5 =	sshll.u32 s26, $0x1;
	_ =	strace $0x8000004C;
	[dreg:$0x1] =	wrdreg $0xFFFFFFFF  }
0xa7: {  	s28 =	simm.s32 $_size_execute0_lowered;
	s3 =	sadd.s32 s3, s5;
	[dreg:$0x0] =	wrdreg $0x0  }
0xa8: {  	s5 =	sshll.u32 s28, $0x1;
	[dreg:$0x2] =	wrdreg s3  }
0xa9: {  	[dreg:$0x3] =	wrdreg s5  }
0xaa: {  	[dreg:$0x4] =	wrdreg $0xC0  }
0xab: {  	_ =	task [dreg:s7], $0x5FFFF  }
0xac: {  	[dreg:$0x1] =	wrdreg $0xFFFFFFFF  }
0xad: {  	[dreg:$0x0] =	wrdreg $0x60  }
0xae: {  	[dreg:$0x2] =	wrdreg s24  }
0xaf: {  	[dreg:$0x3] =	wrdreg s2  }
0xb0: {  	[dreg:$0x4] =	wrdreg $0x0  }
0xb1: {  	[dreg:$0x5] =	wrdreg $0x9  }
0xb2: {  	_ =	task.clear_ibuf [dreg:s7], $0x6FFFF;
	_ =	strace $0x9000004C  }
0xb3: {  	s29 =	simm.s32 $0x9;
	_ =	strace $0x8000004E  }
0xb4: {  	_ =	swait.ge [sflag:s29], $0x1  }
0xb5: {  	[sflag:s29] =	ssyncadd.s32 $0xFFFFFFFF  }
0xb6: {  	_ =	strace $0x9000004E  }
0xb7: {  	_ =	sfence  }
0xb8: {  	s30 =	sld [smem:$0x0];
	_ =	sdelay $0x2  }
0xb9: {  	s31 =	sshll.u32 s1, $0xD;
	s1 =	sshrl.u32 s1, $0x2  }
0xba: {  	s3 =	sand.u32 $0x4000, s31;
	s1 =	sadd.s32 s1, s30  }
0xbb: {  	s0 =	sor.u32 s3, s0;
	s1 =	sshll.u32 s1, $0x11  }
0xbc: {  	s0 =	sor.u32 s1, s0  }
0xbd: {  	s0 =	sadd.s32 $0x8F2B, s0  }
0xbe: {  	[sflag:s0] =	ssyncadd.remote.s32 $0x1  }
0xbf: {  	_ =	sfence.sel $0xFFFF  }
0xc0: {  	[dreg:$0x0] =	wrdreg $0xFFFFFFFF;
	(pc) =	sbr.abs _section_cstart, $3  }
0xc1: {  	[dreg:$0x1] =	wrdreg $0xFFFFFFFF  }
0xc2: {  	_ =	task.clear_ibuf [dreg:s7], $0x2FFFF;
	_ =	strace $0x9FFFFFFF  }
0xc3: {  	(tm) =	ssettm $0x7FFFFFFF  }
tec
execute0_lowered:
.L_overlay_start_1:
0x0: {  	(tag) =	ssettag $0x1  }
0x1: {  	s6 =	rddreg [dreg:$0x0]  }
0x2: {  	s10 =	rddreg [dreg:$0x1]  }
0x3: {  	s1 =	rddreg [dreg:$0x2]  }
0x4: {  	s2 =	srdreg.scid;
	s0 =	rddreg [dreg:$0x3]  }
0x5: {  	s3 =	simm.s32 $0x0;
	s14 =	simm.s32 $0x14080;
	s15 =	simm.s32 $0x80  }
0x6: {  	s16 =	simm.s32 $0x14100;
	s17 =	simm.s32 $0x1;
	s7 =	sand.u32 $0x1, s2  }
0x7: {  	s18 =	simm.s32 $0x0;
	s2 =	stileid.u32;
	s8 =	smul.u32 $0x140000, s7  }
0x8: {  	[smem:$0x7FF] =	sst s3;
	s4 =	sadd.s32 $0x5C00, s6;
	s9 =	smul.u32 $0x14000, s2  }
0x9: {  	s5 =	sadd.s32 $0x3400, s6;
	_ =	strace $0x8000004D;
	s11 =	smul.u32 $0x50000, s2  }
0xa: {  	s29 =	ssub.s32 $0x2, s7;
	s30 =	sshll.u32 s2, $0x6;
	s13 =	sshll.u32 s2, $0x9  }
0xb: {  	s7 =	sshll.u32 s7, $0x8;
	p0 =	slt.u32 s2, $0x2;
	s12 =	sshrl.u32 s29, $0x1  }
0xc: {  	s13 =	sor.u32 s7, s13;
	s7 =	sor.u32 $0x1C02, s30;
	s8 =	sadd.s32 s9, s8  }
0xd: {  	s11 =	sshrl.u32 s11, $0x2;
	s9 =	ssub.s32 s29, s12;
	s31 =	sshrl.u32 s13, $0x3  }
0xe: {  	s12 =	simm.s32 $0x2;
	s13 =	simm.s32 $0x14000;
	s8 =	sshrl.u32 s8, $0x3  }
0xf: {  	s11 =	sadd.s32 s11, s1;
	s9 =	smax.u32 s9, $0x1;
	s10 =	sadd.s32 s31, s10  }
0x10: {  	s8 =	sadd.s32 s8, s6;
	s6 =	simm.s32 $0x4F;
	s10 =	sadd.s32 $0x10, s10  }
0x11: {  	s11 =	sshrl.u32 s11, $0x3;
	s6 =	simm.s32 @!p0 $0x4E;
	s8 =	sadd.s32 $0x2CE00, s8  }
.LBB2_1:
0x12: {  	[spmem:s11], [sflag:s7] =	dma.local [hbm:s5], $0x2800  }
0x13: {  	p1 =	sne.s32 s6, $0x1  }
.Ltmp0:
0x14: {  	_ =	swait.ge [sflag:s12], $0x2800;
	(pc) =	sbr.rel @!p1 .LBB2_4-.Ltmp0, $4  }
0x15: {  	[sflag:s12] =	ssyncset.done $0x0  }
0x16: {  	[sflag:s12] =	ssyncadd.s32 $0xFFFFD800  }
0x17: {  	[bflag:$0x0] =	sbarrier.arrive $0xFFFF  }
0x18: {  	s20 =	sadd.s32 $0xFFFFFFFF, s6;
	p0 =	por $0x0, $0x0;
	s19 =	smov.u32 s10  }
0x19: {  	s19 =	sadd.s32 $0xFFFFFFF0, s10  }
0x1a: {  	[tilespmem:s13], [sflag:$0x2] =	stream.linear.gather [hbm4b:s19+s3], $0x80, $0x38;
	[tilespmem:$0x18100] =	vst v63  }
0x1b: {  	_ =	swait.ge [sflag:s12], $0x80  }
0x1c: {  	[sflag:s12] =	ssyncset.done $0x0  }
0x1d: {  	[sflag:s12] =	ssyncadd.s32 $0xFFFFFF80  }
0x1e: {  	[tilespmem:s14], [sflag:$0x2] =	stream.linear.gather [hbm4b:s10+s3], $0x80, $0x38;
	[tilespmem:$0x18100] =	vst v63  }
0x1f: {  	_ =	swait.ge [sflag:s12], $0x80  }
0x20: {  	[sflag:s12] =	ssyncset.done $0x0  }
0x21: {  	[sflag:s12] =	ssyncadd.s32 $0xFFFFFF80  }
0x22: {  	[tilespmem:s16], [sflag:$0x1] =	stream.indirect.gather [hbm4b:s4+s15], $0x80, s13, s15, $0xb8;
	[tilespmem:$0x18100] =	vst v63  }
0x23: {  	p1 =	sne.s32 s20, $0x1;
	_ =	swait.ge [sflag:s17], $0x4000  }
.Ltmp1:
0x24: {  	[sflag:s17] =	ssyncset.done $0x0;
	(pc) =	sbr.rel @!p1 .LBB2_4-.Ltmp1, $4  }
0x25: {  	[sflag:s17] =	ssyncadd.s32 $0xFFFFC000  }
0x26: {  	[spmem:s1] =	stream.indirect.scatter.add.f32 [tilespmem:s16], [sflag:$0x2], $0x80, s14, s15, $0xb8;
	[tilespmem:$0x18100] =	vst v63  }
0x27: {  	s20 =	sadd.s32 $0xFFFFFFFF, s20;
	_ =	swait.ge [sflag:s12], $0x4000  }
0x28: {  	p0 =	por $0x1, $0x1;
	s19 =	sadd.s32 $0x400, s10;
	[sflag:s12] =	ssyncset.done $0x0  }
.LBB2_3:
0x29: {  	p1 =	sne.s32 s20, $0x1;
	s21 =	sadd.s32 $0xFFFFFFF0, s19;
	[sflag:s12] =	ssyncadd.s32 $0xFFFFC000  }
0x2a: {  	[tilespmem:s13], [sflag:$0x2] =	stream.linear.gather [hbm4b:s21+s3], $0x80, $0x38;
	[tilespmem:$0x18100] =	vst v63  }
0x2b: {  	s20 =	sadd.s32 $0xFFFFFFFF, s20;
	_ =	swait.ge [sflag:s12], $0x80  }
0x2c: {  	[sflag:s12] =	ssyncset.done $0x0  }
0x2d: {  	[sflag:s12] =	ssyncadd.s32 $0xFFFFFF80  }
0x2e: {  	[tilespmem:s14], [sflag:$0x2] =	stream.linear.gather [hbm4b:s19+s3], $0x80, $0x38;
	[tilespmem:$0x18100] =	vst v63  }
0x2f: {  	_ =	swait.ge [sflag:s12], $0x80  }
0x30: {  	[sflag:s12] =	ssyncset.done $0x0  }
0x31: {  	[sflag:s12] =	ssyncadd.s32 $0xFFFFFF80  }
0x32: {  	[tilespmem:s16], [sflag:$0x1] =	stream.indirect.gather [hbm4b:s4+s15], $0x80, s13, s15, $0xb8;
	[tilespmem:$0x18100] =	vst v63  }
0x33: {  	_ =	swait.ge [sflag:s17], $0x4000  }
.Ltmp2:
0x34: {  	[sflag:s17] =	ssyncset.done $0x0;
	(pc) =	sbr.rel @p1 .LBB2_3-.Ltmp2, $4  }
0x35: {  	[sflag:s17] =	ssyncadd.s32 $0xFFFFC000  }
0x36: {  	[spmem:s1] =	stream.indirect.scatter.add.f32 [tilespmem:s16], [sflag:$0x2], $0x80, s14, s15, $0xb8;
	[tilespmem:$0x18100] =	vst v63  }
0x37: {  	_ =	swait.ge [sflag:s12], $0x4000  }
0x38: {  	s19 =	sadd.s32 $0x400, s19;
	[sflag:s12] =	ssyncset.done $0x0  }
.LBB2_4:
0x39: {  	s20 =	sadd.s32 $0xFFFFFFF0, s19;
	[sflag:s12] =	ssyncadd.s32 @p0 $0xFFFFC000  }
0x3a: {  	[tilespmem:s13], [sflag:$0x2] =	stream.linear.gather [hbm4b:s20+s3], $0x80, $0x38;
	[tilespmem:$0x18100] =	vst v63  }
0x3b: {  	_ =	swait.ge [sflag:s12], $0x80  }
0x3c: {  	[sflag:s12] =	ssyncset.done $0x0  }
0x3d: {  	[sflag:s12] =	ssyncadd.s32 $0xFFFFFF80  }
0x3e: {  	[tilespmem:s14], [sflag:$0x2] =	stream.linear.gather [hbm4b:s19+s3], $0x80, $0x38;
	[tilespmem:$0x18100] =	vst v63  }
0x3f: {  	_ =	swait.ge [sflag:s12], $0x80  }
0x40: {  	[sflag:s12] =	ssyncset.done $0x0  }
0x41: {  	[sflag:s12] =	ssyncadd.s32 $0xFFFFFF80  }
0x42: {  	[tilespmem:s16], [sflag:$0x1] =	stream.indirect.gather [hbm4b:s4+s15], $0x80, s13, s15, $0xb8;
	[tilespmem:$0x18100] =	vst v63  }
0x43: {  	_ =	swait.ge [sflag:s17], $0x4000  }
0x44: {  	[sflag:s17] =	ssyncset.done $0x0  }
0x45: {  	[sflag:s17] =	ssyncadd.s32 $0xFFFFC000  }
0x46: {  	[spmem:s1] =	stream.indirect.scatter.add.f32 [tilespmem:s16], [sflag:$0x2], $0x80, s14, s15, $0xb8;
	[tilespmem:$0x18100] =	vst v63  }
0x47: {  	_ =	swait.ge [sflag:s12], $0x4000  }
0x48: {  	s18 =	sadd.s32 $0x1, s18;
	[sflag:s12] =	ssyncset.done $0x0  }
0x49: {  	p0 =	sne.s32 s18, s9;
	[sflag:s12] =	ssyncadd.s32 $0xFFFFC000  }
.Ltmp3:
0x4a: {  	[bflag:$0x0] =	sbarrier.arrive $0xFFFF;
	(pc) =	sbr.rel @p0 .LBB2_1-.Ltmp3, $4  }
0x4b: {  	[hbm:s8], [sflag:s7] =	dma.local [spmem:s11], $0x2800  }
0x4c: {  	_ =	swait.ge [sflag:s12], $0x2800  }
0x4d: {  	[sflag:s12] =	ssyncset.done $0x0  }
0x4e: {  	[sflag:s12] =	ssyncadd.s32 $0xFFFFD800  }
0x4f: {  	_ =	sfence.sel $0x180000  }
0x50: {  	[bflag:$0x0] =	sbarrier.arrive $0xFFFF  }
0x51: {  	p0 =	sne.s32 s2, $0x0;
	_ =	strace $0x9000004D  }
0x52: {  	s0 =	sadd.s32 @!p0 $0x100000, s0;
	[bflag:$0x2] =	sbarrier.arrive $0xFFFF  }
0x53: {  	[sflag:s0] =	ssyncadd.tile.s32 @!p0 $0x1;
	_ =	shalt  }
.Lfunc_end2:
_tile_overlayer_lowered:
.L_overlay_start_2:
0x54: {  	(tag) =	ssettag $0x2  }
0x55: {  	s0 =	rddreg [dreg:$0x0];
	s2 =	stileid.u32  }
0x56: {  	s1 =	rddreg [dreg:$0x1];
	p0 =	sne.s32 s2, $0x0  }
0x57: {  	s3 =	rddreg [dreg:$0x2];
	[bflag:$0x3] =	sbarrier.arrive $0xFFFF;
	s2 =	simm.s32 @!p0 $0x1C02  }
0x58: {  	[timem:s3], [sflag:s2] =	dma.local @!p0 [hbm:s0], s1  }
0x59: {  	s0 =	simm.s32 @!p0 $0x2  }
0x5a: {  	_ =	swait.ge @!p0 [sflag:s0], s1  }
0x5b: {  	s1 =	ssub.s32 @!p0 $0x0, s1;
	[sflag:s0] =	ssyncset.done @!p0 $0x0  }
0x5c: {  	[sflag:s0] =	ssyncadd.s32 @!p0 s1  }
0x5d: {  	[bflag:$0x3] =	sbarrier.arrive $0xFFFF  }
0x5e: {  	_ =	shalt  }

// kernel: kernel.19.cloned.1.call-start
scs
__scs_entry_jumppad:
0x0: {  	(pc) =	sbr.rel $0x88, $3  }
0x1: {  	(tag) =	ssettag $0x0;
	lr =	simm.s32 $0x1  }
0x2: {  	[smem:$0x3F96] =	sst lr;
	_ =	strace $0xD0000000  }
0x3: {  	_ = 	snop  }
0x4: {  	_ = 	snop  }
0x5: {  	_ = 	snop  }
0x6: {  	_ = 	snop  }
0x7: {  	_ = 	snop  }
__scs_overlays_trampoline_lowered:
0x8: {  	[smem:$0x3FA5] =	sst s0  }
0x9: {  	[smem:$0x3FA6] =	sst s1  }
0xa: {  	[smem:$0x3FA7] =	sst s2  }
0xb: {  	[smem:$0x3FA8] =	sst s3  }
0xc: {  	[smem:$0x3FA9] =	sst s4  }
0xd: {  	[smem:$0x3FAA] =	sst s5  }
0xe: {  	[smem:$0x3FAB] =	sst s6  }
0xf: {  	[smem:$0x3FAC] =	sst s7  }
0x10: {  	[smem:$0x3FAD] =	sst s8  }
0x11: {  	[smem:$0x3FAE] =	sst s9;
	s0 =	simm.s32 @!p0 $0x0  }
0x12: {  	s1 =	sld [smem:$0x3F94];
	s0 =	simm.s32 @p0 $0x1  }
0x13: {  	[smem:$0x3FAF] =	sst s0;
	s0 =	simm.s32 @!p1 $0x0  }
0x14: {  	s2 =	sld [smem:$0x3F93];
	s0 =	simm.s32 @p1 $0x1  }
0x15: {  	[smem:$0x3FB0] =	sst s0;
	s0 =	simm.s32 @!p2 $0x0  }
0x16: {  	s3 =	sld [smem:$0x3FDB];
	s0 =	simm.s32 @p2 $0x1  }
0x17: {  	s4 =	simm.s32 $0x1BF5;
	[smem:$0x3FB2] =	sst s0  }
0x18: {  	s0 =	sld [smem:$0x3F95];
	_ =	swait.ge [sflag:s4], $0x0  }
0x19: {  	s7 =	sld [smem:$0x3F96]  }
0x1a: {  	s8 =	sadd.s32 $0xFFFFE003, lr  }
0x1b: {  	s9 =	sadd.s32 $0xFFFFFEF7, lr;
	s5 =	simm.s32 $0xFFFFFFFF;
	p2 =	slt.u32 s8, $0xFFFFF086  }
0x1c: {  	p1 =	slt.u32 s9, $0xF7A;
	s5 =	simm.s32 @!p2 $0x0  }
0x1d: {  	s5 =	simm.s32 @p1 $0x1;
	p0 =	seq.s32 s7, s2  }
0x1e: {  	s7 =	smul.u32 @!p0 $0xF7A, s2;
	p2 =	seq.s32 @!p0 s5, $0x0  }
0x1f: {  	s9 =	smul.u32 $0xF7A, s1;
	s8 =	simm.s32 @!p0 $0x1BF5;
	p2 =	por !p2, p0  }
0x20: {  	[sflag:s8] =	ssyncset.s32 @!p0 $0xFFFFF086;
	s6 =	sadd.s32 @!p0 s3, s7;
	s7 =	simm.s32 @!p0 $0x108  }
0x21: {  	s3 =	sadd.s32 s3, s9;
	s6 =	sadd.s32 @!p0 $0x88, s6;
	s7 =	simm.s32 @p2 $0x1082  }
0x22: {  	[simem:s7], [sflag:s8] =	dma.local @!p0 [hbm:s6], $0xF7A  }
0x23: {  	s9 =	sor.u32 $0xD0000000, s2;
	s6 =	simm.s32 $0x108;
	_ =	swait.ge @!p0 [sflag:s8], $0x0  }
0x24: {  	s3 =	sadd.s32 $0x88, s3;
	s6 =	simm.s32 @!p1 $0x1082;
	[sflag:s4] =	ssyncset.s32 $0xFFFFF086  }
0x25: {  	[simem:s6], [sflag:s4] =	dma.local [hbm:s3], $0xF7A  }
0x26: {  	[smem:$0x3F96] =	sst s1;
	(tag) =	ssettag s2;
	_ =	strace s9  }
0x27: {  	s1 =	sld [smem:$0x3FA6]  }
0x28: {  	s2 =	sld [smem:$0x3FA7]  }
0x29: {  	s4 =	sld [smem:$0x3FA9]  }
0x2a: {  	p0 =	seq.s32 s5, $0x0;
	s5 =	sld [smem:$0x3FAA]  }
0x2b: {  	s6 =	sld [smem:$0x3FAB]  }
0x2c: {  	s7 =	sld [smem:$0x3FAC]  }
0x2d: {  	s3 =	simm.s32 $0x108;
	s8 =	sld [smem:$0x3FAD]  }
0x2e: {  	s3 =	simm.s32 @!p0 $0x1082;
	s9 =	sld [smem:$0x3FAE]  }
0x2f: {  	lr =	sadd.s32 s0, s3;
	s0 =	sld [smem:$0x3FA5]  }
0x30: {  	s3 =	sld [smem:$0x3FA8]  }
0x31: {  	[smem:$0x3FB1] =	sst s10  }
0x32: {  	s10 =	sld [smem:$0x3FAF];
	_ =	sdelay $0x3  }
0x33: {  	p0 =	seq.s32 s10, $0x1;
	s10 =	sld [smem:$0x3FB1];
	_ =	sdelay $0x3  }
0x34: {  	[smem:$0x3FB1] =	sst s10  }
0x35: {  	s10 =	sld [smem:$0x3FB0];
	_ =	sdelay $0x3  }
0x36: {  	p1 =	seq.s32 s10, $0x1;
	s10 =	sld [smem:$0x3FB1];
	_ =	sdelay $0x3  }
0x37: {  	[smem:$0x3FB1] =	sst s10  }
0x38: {  	s10 =	sld [smem:$0x3FB2]  }
0x39: {  	_ = 	snop;
	(pc) =	sbr.ind lr, $3  }
0x3a: {  	_ = 	snop  }
0x3b: {  	_ = 	snop  }
0x3c: {  	p2 =	seq.s32 s10, $0x1;
	s10 =	sld [smem:$0x3FB1]  }
0x3d: {  	_ =	shalt  }
0x3e: {  	_ =	shalt  }
0x3f: {  	_ =	shalt  }
0x40: {  	_ =	shalt  }
0x41: {  	_ =	shalt  }
0x42: {  	_ =	shalt  }
0x43: {  	_ =	shalt  }
0x44: {  	_ =	shalt  }
0x45: {  	_ =	shalt  }
0x46: {  	_ =	shalt  }
0x47: {  	_ =	shalt  }
0x48: {  	_ =	shalt  }
0x49: {  	_ =	shalt  }
0x4a: {  	_ =	shalt  }
0x4b: {  	_ =	shalt  }
0x4c: {  	_ =	shalt  }
0x4d: {  	_ =	shalt  }
0x4e: {  	_ =	shalt  }
0x4f: {  	_ =	shalt  }
0x50: {  	_ =	shalt  }
0x51: {  	_ =	shalt  }
0x52: {  	_ =	shalt  }
0x53: {  	_ =	shalt  }
0x54: {  	_ =	shalt  }
0x55: {  	_ =	shalt  }
0x56: {  	_ =	shalt  }
0x57: {  	_ =	shalt  }
0x58: {  	_ =	shalt  }
0x59: {  	_ =	shalt  }
0x5a: {  	_ =	shalt  }
0x5b: {  	_ =	shalt  }
0x5c: {  	_ =	shalt  }
0x5d: {  	_ =	shalt  }
0x5e: {  	_ =	shalt  }
0x5f: {  	_ =	shalt  }
0x60: {  	_ =	shalt  }
0x61: {  	_ =	shalt  }
0x62: {  	_ =	shalt  }
0x63: {  	_ =	shalt  }
0x64: {  	_ =	shalt  }
0x65: {  	_ =	shalt  }
0x66: {  	_ =	shalt  }
0x67: {  	_ =	shalt  }
0x68: {  	_ =	shalt  }
0x69: {  	_ =	shalt  }
0x6a: {  	_ =	shalt  }
0x6b: {  	_ =	shalt  }
0x6c: {  	_ =	shalt  }
0x6d: {  	_ =	shalt  }
0x6e: {  	_ =	shalt  }
0x6f: {  	_ =	shalt  }
0x70: {  	_ =	shalt  }
0x71: {  	_ =	shalt  }
0x72: {  	_ =	shalt  }
0x73: {  	_ =	shalt  }
0x74: {  	_ =	shalt  }
0x75: {  	_ =	shalt  }
0x76: {  	_ =	shalt  }
0x77: {  	_ =	shalt  }
0x78: {  	_ =	shalt  }
0x79: {  	_ =	shalt  }
0x7a: {  	_ =	shalt  }
0x7b: {  	_ =	shalt  }
0x7c: {  	_ =	shalt  }
0x7d: {  	_ =	shalt  }
0x7e: {  	_ =	shalt  }
0x7f: {  	_ =	shalt  }
0x80: {  	_ =	shalt  }
0x81: {  	_ =	shalt  }
0x82: {  	_ =	shalt  }
0x83: {  	_ =	shalt  }
0x84: {  	_ =	shalt  }
0x85: {  	_ =	shalt  }
0x86: {  	_ =	shalt  }
0x87: {  	_ =	shalt  }
.Lfunc_end0:
.L_simem_size_0:
called_computation.3_lowered:
.L_overlay_start_0:
0x88: {  	s2 =	sld [smem:$0x3FD9]  }
0x89: {  	s3 =	sld [smem:$0x3FFE];
	_ =	sdelay $0x1  }
0x8a: {  	s1 =	srdreg.scid  }
0x8b: {  	s0 =	sand.u32 $0x1, s1  }
0x8c: {  	s17 =	sshll.u32 s0, $0xA;
	s2 =	sadd.s32 s3, s2  }
0x8d: {  	s2 =	sadd.s32 s2, s17  }
0x8e: {  	[smem:$0x3FBD] =	sst s2  }
0x8f: {  	_ = 	snop  }
0x90: {  	s2 =	sld [smem:$0x3FC8];
	(tm) =	ssettm $0x1  }
0x91: {  	s18 =	sld [smem:$0x3FFB];
	_ =	sdelay $0x3  }
0x92: {  	_ =	strace s18  }
0x93: {  	s3 =	sld [smem:$0x3FFC];
	_ =	sdelay $0x3  }
0x94: {  	_ =	strace s3  }
0x95: {  	s3 =	sld [smem:$0x3FFD];
	_ =	sdelay $0x3  }
0x96: {  	_ =	strace s3  }
0x97: {  	_ =	strace $0x8FFFFFFF  }
0x98: {  	s19 =	sld [smem:$0x3FDB];
	_ =	sdelay $0x1  }
0x99: {  	s4 =	simm.s32 $_scs_section_size  }
0x9a: {  	s5 =	simm.s32 $_size__tile_overlayer_lowered;
	s6 =	simm.s32 $_tile_overlayer_lowered  }
0x9b: {  	s22 =	simm.s32 $0x1BFF;
	s21 =	sshll.u32 s6, $0x1;
	s3 =	sadd.s32 s4, s19  }
0x9c: {  	s7 =	simm.s32 $0x0;
	s20 =	sshll.u32 s5, $0x1;
	s5 =	sadd.s32 s21, s3  }
0x9d: {  	[timem:s7], [sflag:s22] =	dma.local [hbm:s5], s20  }
0x9e: {  	_ =	swait.ge [sflag:s22], s20  }
0x9f: {  	s4 =	ssub.s32 $0x0, s20;
	[sflag:s22] =	ssyncset.done $0x0  }
0xa0: {  	[sflag:s22] =	ssyncadd.s32 s4;
	_ =	sdelay $0x1  }
0xa1: {  	s23 =	simm.s32 $0x1B8B  }
0xa2: {  	_ =	swait.ge [sflag:s23], $0x1  }
0xa3: {  	[sflag:s23] =	ssyncset.done $0x0  }
0xa4: {  	s25 =	simm.s32 $0x1B8E;
	s24 =	sld [smem:$0x3FFE];
	[sflag:s23] =	ssyncadd.s32 $0xFFFFFFFF  }
0xa5: {  	s26 =	simm.s32 $execute0_lowered;
	[smem:$0x3FD2] =	sst s25  }
0xa6: {  	s5 =	sshll.u32 s26, $0x1;
	_ =	strace $0x8000004F;
	[dreg:$0x1] =	wrdreg $0xFFFFFFFF  }
0xa7: {  	s28 =	simm.s32 $_size_execute0_lowered;
	s3 =	sadd.s32 s3, s5;
	[dreg:$0x0] =	wrdreg $0x0  }
0xa8: {  	s5 =	sshll.u32 s28, $0x1;
	[dreg:$0x2] =	wrdreg s3  }
0xa9: {  	[dreg:$0x3] =	wrdreg s5  }
0xaa: {  	[dreg:$0x4] =	wrdreg $0xC0  }
0xab: {  	_ =	task [dreg:s7], $0x5FFFF  }
0xac: {  	[dreg:$0x1] =	wrdreg $0xFFFFFFFF  }
0xad: {  	[dreg:$0x0] =	wrdreg $0x60  }
0xae: {  	[dreg:$0x2] =	wrdreg s24  }
0xaf: {  	[dreg:$0x3] =	wrdreg s2  }
0xb0: {  	[dreg:$0x4] =	wrdreg $0x0  }
0xb1: {  	[dreg:$0x5] =	wrdreg $0x9  }
0xb2: {  	_ =	task.clear_ibuf [dreg:s7], $0x6FFFF;
	_ =	strace $0x9000004F  }
0xb3: {  	s29 =	simm.s32 $0x9;
	_ =	strace $0x80000051  }
0xb4: {  	_ =	swait.ge [sflag:s29], $0x1  }
0xb5: {  	[sflag:s29] =	ssyncadd.s32 $0xFFFFFFFF  }
0xb6: {  	_ =	strace $0x90000051  }
0xb7: {  	_ =	sfence  }
0xb8: {  	s30 =	sld [smem:$0x0];
	_ =	sdelay $0x2  }
0xb9: {  	s31 =	sshll.u32 s1, $0xD;
	s1 =	sshrl.u32 s1, $0x2  }
0xba: {  	s3 =	sand.u32 $0x4000, s31;
	s1 =	sadd.s32 s1, s30  }
0xbb: {  	s0 =	sor.u32 s3, s0;
	s1 =	sshll.u32 s1, $0x11  }
0xbc: {  	s0 =	sor.u32 s1, s0  }
0xbd: {  	s0 =	sadd.s32 $0x8F2B, s0  }
0xbe: {  	[sflag:s0] =	ssyncadd.remote.s32 $0x1  }
0xbf: {  	_ =	sfence.sel $0xFFFF  }
0xc0: {  	[dreg:$0x0] =	wrdreg $0xFFFFFFFF;
	(pc) =	sbr.abs _section_cstart, $3  }
0xc1: {  	[dreg:$0x1] =	wrdreg $0xFFFFFFFF  }
0xc2: {  	_ =	task.clear_ibuf [dreg:s7], $0x2FFFF;
	_ =	strace $0x9FFFFFFF  }
0xc3: {  	(tm) =	ssettm $0x7FFFFFFF  }
tec
execute0_lowered:
.L_overlay_start_1:
0x0: {  	(tag) =	ssettag $0x1  }
0x1: {  	s6 =	rddreg [dreg:$0x0]  }
0x2: {  	s10 =	rddreg [dreg:$0x1]  }
0x3: {  	s1 =	rddreg [dreg:$0x2]  }
0x4: {  	s2 =	srdreg.scid;
	s0 =	rddreg [dreg:$0x3]  }
0x5: {  	s3 =	simm.s32 $0x0;
	s14 =	simm.s32 $0x14080;
	s15 =	simm.s32 $0x80  }
0x6: {  	s16 =	simm.s32 $0x14100;
	s17 =	simm.s32 $0x1;
	s7 =	sand.u32 $0x1, s2  }
0x7: {  	s18 =	simm.s32 $0x0;
	s2 =	stileid.u32;
	s8 =	smul.u32 $0x140000, s7  }
0x8: {  	[smem:$0x7FF] =	sst s3;
	s4 =	sadd.s32 $0x5C00, s6;
	s9 =	smul.u32 $0x14000, s2  }
0x9: {  	s5 =	sadd.s32 $0x3400, s6;
	_ =	strace $0x80000050;
	s11 =	smul.u32 $0x50000, s2  }
0xa: {  	s29 =	ssub.s32 $0x2, s7;
	s30 =	sshll.u32 s2, $0x6;
	s13 =	sshll.u32 s2, $0x9  }
0xb: {  	s7 =	sshll.u32 s7, $0x8;
	p0 =	slt.u32 s2, $0x2;
	s12 =	sshrl.u32 s29, $0x1  }
0xc: {  	s13 =	sor.u32 s7, s13;
	s7 =	sor.u32 $0x1C02, s30;
	s8 =	sadd.s32 s9, s8  }
0xd: {  	s11 =	sshrl.u32 s11, $0x2;
	s9 =	ssub.s32 s29, s12;
	s31 =	sshrl.u32 s13, $0x3  }
0xe: {  	s12 =	simm.s32 $0x2;
	s13 =	simm.s32 $0x14000;
	s8 =	sshrl.u32 s8, $0x3  }
0xf: {  	s11 =	sadd.s32 s11, s1;
	s9 =	smax.u32 s9, $0x1;
	s10 =	sadd.s32 s31, s10  }
0x10: {  	s8 =	sadd.s32 s8, s6;
	s6 =	simm.s32 $0x4F;
	s10 =	sadd.s32 $0x10, s10  }
0x11: {  	s11 =	sshrl.u32 s11, $0x3;
	s6 =	simm.s32 @!p0 $0x4E;
	s8 =	sadd.s32 $0x2CE00, s8  }
.LBB2_1:
0x12: {  	[spmem:s11], [sflag:s7] =	dma.local [hbm:s5], $0x2800  }
0x13: {  	p1 =	sne.s32 s6, $0x1  }
.Ltmp0:
0x14: {  	_ =	swait.ge [sflag:s12], $0x2800;
	(pc) =	sbr.rel @!p1 .LBB2_4-.Ltmp0, $4  }
0x15: {  	[sflag:s12] =	ssyncset.done $0x0  }
0x16: {  	[sflag:s12] =	ssyncadd.s32 $0xFFFFD800  }
0x17: {  	[bflag:$0x0] =	sbarrier.arrive $0xFFFF  }
0x18: {  	s20 =	sadd.s32 $0xFFFFFFFF, s6;
	p0 =	por $0x0, $0x0;
	s19 =	smov.u32 s10  }
0x19: {  	s19 =	sadd.s32 $0xFFFFFFF0, s10  }
0x1a: {  	[tilespmem:s13], [sflag:$0x2] =	stream.linear.gather [hbm4b:s19+s3], $0x80, $0x38;
	[tilespmem:$0x18100] =	vst v63  }
0x1b: {  	_ =	swait.ge [sflag:s12], $0x80  }
0x1c: {  	[sflag:s12] =	ssyncset.done $0x0  }
0x1d: {  	[sflag:s12] =	ssyncadd.s32 $0xFFFFFF80  }
0x1e: {  	[tilespmem:s14], [sflag:$0x2] =	stream.linear.gather [hbm4b:s10+s3], $0x80, $0x38;
	[tilespmem:$0x18100] =	vst v63  }
0x1f: {  	_ =	swait.ge [sflag:s12], $0x80  }
0x20: {  	[sflag:s12] =	ssyncset.done $0x0  }
0x21: {  	[sflag:s12] =	ssyncadd.s32 $0xFFFFFF80  }
0x22: {  	[tilespmem:s16], [sflag:$0x1] =	stream.indirect.gather [hbm4b:s4+s15], $0x80, s13, s15, $0xb8;
	[tilespmem:$0x18100] =	vst v63  }
0x23: {  	p1 =	sne.s32 s20, $0x1;
	_ =	swait.ge [sflag:s17], $0x4000  }
.Ltmp1:
0x24: {  	[sflag:s17] =	ssyncset.done $0x0;
	(pc) =	sbr.rel @!p1 .LBB2_4-.Ltmp1, $4  }
0x25: {  	[sflag:s17] =	ssyncadd.s32 $0xFFFFC000  }
0x26: {  	[spmem:s1] =	stream.indirect.scatter.add.f32 [tilespmem:s16], [sflag:$0x2], $0x80, s14, s15, $0xb8;
	[tilespmem:$0x18100] =	vst v63  }
0x27: {  	s20 =	sadd.s32 $0xFFFFFFFF, s20;
	_ =	swait.ge [sflag:s12], $0x4000  }
0x28: {  	p0 =	por $0x1, $0x1;
	s19 =	sadd.s32 $0x400, s10;
	[sflag:s12] =	ssyncset.done $0x0  }
.LBB2_3:
0x29: {  	p1 =	sne.s32 s20, $0x1;
	s21 =	sadd.s32 $0xFFFFFFF0, s19;
	[sflag:s12] =	ssyncadd.s32 $0xFFFFC000  }
0x2a: {  	[tilespmem:s13], [sflag:$0x2] =	stream.linear.gather [hbm4b:s21+s3], $0x80, $0x38;
	[tilespmem:$0x18100] =	vst v63  }
0x2b: {  	s20 =	sadd.s32 $0xFFFFFFFF, s20;
	_ =	swait.ge [sflag:s12], $0x80  }
0x2c: {  	[sflag:s12] =	ssyncset.done $0x0  }
0x2d: {  	[sflag:s12] =	ssyncadd.s32 $0xFFFFFF80  }
0x2e: {  	[tilespmem:s14], [sflag:$0x2] =	stream.linear.gather [hbm4b:s19+s3], $0x80, $0x38;
	[tilespmem:$0x18100] =	vst v63  }
0x2f: {  	_ =	swait.ge [sflag:s12], $0x80  }
0x30: {  	[sflag:s12] =	ssyncset.done $0x0  }
0x31: {  	[sflag:s12] =	ssyncadd.s32 $0xFFFFFF80  }
0x32: {  	[tilespmem:s16], [sflag:$0x1] =	stream.indirect.gather [hbm4b:s4+s15], $0x80, s13, s15, $0xb8;
	[tilespmem:$0x18100] =	vst v63  }
0x33: {  	_ =	swait.ge [sflag:s17], $0x4000  }
.Ltmp2:
0x34: {  	[sflag:s17] =	ssyncset.done $0x0;
	(pc) =	sbr.rel @p1 .LBB2_3-.Ltmp2, $4  }
0x35: {  	[sflag:s17] =	ssyncadd.s32 $0xFFFFC000  }
0x36: {  	[spmem:s1] =	stream.indirect.scatter.add.f32 [tilespmem:s16], [sflag:$0x2], $0x80, s14, s15, $0xb8;
	[tilespmem:$0x18100] =	vst v63  }
0x37: {  	_ =	swait.ge [sflag:s12], $0x4000  }
0x38: {  	s19 =	sadd.s32 $0x400, s19;
	[sflag:s12] =	ssyncset.done $0x0  }
.LBB2_4:
0x39: {  	s20 =	sadd.s32 $0xFFFFFFF0, s19;
	[sflag:s12] =	ssyncadd.s32 @p0 $0xFFFFC000  }
0x3a: {  	[tilespmem:s13], [sflag:$0x2] =	stream.linear.gather [hbm4b:s20+s3], $0x80, $0x38;
	[tilespmem:$0x18100] =	vst v63  }
0x3b: {  	_ =	swait.ge [sflag:s12], $0x80  }
0x3c: {  	[sflag:s12] =	ssyncset.done $0x0  }
0x3d: {  	[sflag:s12] =	ssyncadd.s32 $0xFFFFFF80  }
0x3e: {  	[tilespmem:s14], [sflag:$0x2] =	stream.linear.gather [hbm4b:s19+s3], $0x80, $0x38;
	[tilespmem:$0x18100] =	vst v63  }
0x3f: {  	_ =	swait.ge [sflag:s12], $0x80  }
0x40: {  	[sflag:s12] =	ssyncset.done $0x0  }
0x41: {  	[sflag:s12] =	ssyncadd.s32 $0xFFFFFF80  }
0x42: {  	[tilespmem:s16], [sflag:$0x1] =	stream.indirect.gather [hbm4b:s4+s15], $0x80, s13, s15, $0xb8;
	[tilespmem:$0x18100] =	vst v63  }
0x43: {  	_ =	swait.ge [sflag:s17], $0x4000  }
0x44: {  	[sflag:s17] =	ssyncset.done $0x0  }
0x45: {  	[sflag:s17] =	ssyncadd.s32 $0xFFFFC000  }
0x46: {  	[spmem:s1] =	stream.indirect.scatter.add.f32 [tilespmem:s16], [sflag:$0x2], $0x80, s14, s15, $0xb8;
	[tilespmem:$0x18100] =	vst v63  }
0x47: {  	_ =	swait.ge [sflag:s12], $0x4000  }
0x48: {  	s18 =	sadd.s32 $0x1, s18;
	[sflag:s12] =	ssyncset.done $0x0  }
0x49: {  	p0 =	sne.s32 s18, s9;
	[sflag:s12] =	ssyncadd.s32 $0xFFFFC000  }
.Ltmp3:
0x4a: {  	[bflag:$0x0] =	sbarrier.arrive $0xFFFF;
	(pc) =	sbr.rel @p0 .LBB2_1-.Ltmp3, $4  }
0x4b: {  	[hbm:s8], [sflag:s7] =	dma.local [spmem:s11], $0x2800  }
0x4c: {  	_ =	swait.ge [sflag:s12], $0x2800  }
0x4d: {  	[sflag:s12] =	ssyncset.done $0x0  }
0x4e: {  	[sflag:s12] =	ssyncadd.s32 $0xFFFFD800  }
0x4f: {  	_ =	sfence.sel $0x180000  }
0x50: {  	[bflag:$0x0] =	sbarrier.arrive $0xFFFF  }
0x51: {  	p0 =	sne.s32 s2, $0x0;
	_ =	strace $0x90000050  }
0x52: {  	s0 =	sadd.s32 @!p0 $0x100000, s0;
	[bflag:$0x2] =	sbarrier.arrive $0xFFFF  }
0x53: {  	[sflag:s0] =	ssyncadd.tile.s32 @!p0 $0x1;
	_ =	shalt  }
.Lfunc_end2:
_tile_overlayer_lowered:
.L_overlay_start_2:
0x54: {  	(tag) =	ssettag $0x2  }
0x55: {  	s0 =	rddreg [dreg:$0x0];
	s2 =	stileid.u32  }
0x56: {  	s1 =	rddreg [dreg:$0x1];
	p0 =	sne.s32 s2, $0x0  }
0x57: {  	s3 =	rddreg [dreg:$0x2];
	[bflag:$0x3] =	sbarrier.arrive $0xFFFF;
	s2 =	simm.s32 @!p0 $0x1C02  }
0x58: {  	[timem:s3], [sflag:s2] =	dma.local @!p0 [hbm:s0], s1  }
0x59: {  	s0 =	simm.s32 @!p0 $0x2  }
0x5a: {  	_ =	swait.ge @!p0 [sflag:s0], s1  }
0x5b: {  	s1 =	ssub.s32 @!p0 $0x0, s1;
	[sflag:s0] =	ssyncset.done @!p0 $0x0  }
0x5c: {  	[sflag:s0] =	ssyncadd.s32 @!p0 s1  }
0x5d: {  	[bflag:$0x3] =	sbarrier.arrive $0xFFFF  }
0x5e: {  	_ =	shalt  }

</sc_bundles>
